<compile_context>
chip_gen: v7x
topology: tpu7x:2x2x1
jax: 0.10.2.dev20260603
libtpu: 0.0.44.dev20260713+nightly
codegen_flags: <defaults>
</compile_context>

<pallas_src>
import functools

import jax
import jax.numpy as jnp
from jax import lax
from jax.experimental import pallas as pl
from jax.experimental.pallas import tpu as pltpu
from jax.experimental.pallas import tpu_sc as plsc

N_NODES = 10000
N_PAD = 10240
N_EDGES = 320000
E_PAD = 327680
IN_DIM = 128
HIDDEN = 256
OUT_DIM = 12
N_GRAPHS = 64

NC = 2
NS = 16
CHUNK = 128
DEG_CHUNKS = E_PAD // (NC * NS * CHUNK)
EDGE_CHUNKS = E_PAD // (NS * CHUNK)
IBLK = 40
N_IBLK = EDGE_CHUNKS // IBLK
ROWS_PER_TILE = N_PAD // NS
RBLK = 2048
N_RBLK = N_PAD // RBLK

_mesh = plsc.VectorSubcoreMesh(core_axis_name="c", subcore_axis_name="s")


@functools.partial(
    pl.kernel,
    out_type=jax.ShapeDtypeStruct((NC * N_PAD,), jnp.float32),
    mesh=_mesh,
    scratch_types=[
        pltpu.VMEM((DEG_CHUNKS, CHUNK), jnp.int32),
        pltpu.VMEM((ROWS_PER_TILE,), jnp.float32),
        pltpu.VMEM((CHUNK,), jnp.float32),
        pltpu.VMEM_SHARED((N_PAD,), jnp.float32),
    ],
)
def _sc_degree(dst_hbm, out_hbm, idx_v, z_v, ones_v, hist_sh):
    c = lax.axis_index("c")
    s = lax.axis_index("s")
    wid = c * NS + s
    pltpu.sync_copy(
        dst_hbm.at[wid // 2, pl.ds((wid % 2) * DEG_CHUNKS, DEG_CHUNKS)], idx_v)

    def _fill_z(i, carry):
        z_v[pl.ds(i * 16, 16)] = jnp.zeros((16,), jnp.float32)
        return carry
    lax.fori_loop(0, ROWS_PER_TILE // 16, _fill_z, 0)
    for k in range(CHUNK // 16):
        ones_v[pl.ds(k * 16, 16)] = jnp.ones((16,), jnp.float32)

    pltpu.sync_copy(z_v, hist_sh.at[pl.ds(s * ROWS_PER_TILE, ROWS_PER_TILE)])
    plsc.subcore_barrier()

    def _hist(j, carry):
        pltpu.sync_copy(ones_v, hist_sh.at[idx_v.at[j]], add=True)
        return carry
    lax.fori_loop(0, DEG_CHUNKS, _hist, 0)
    plsc.subcore_barrier()

    pltpu.sync_copy(
        hist_sh.at[pl.ds(s * ROWS_PER_TILE, ROWS_PER_TILE)],
        out_hbm.at[pl.ds(c * N_PAD + s * ROWS_PER_TILE, ROWS_PER_TILE)],
    )


@functools.partial(
    pl.kernel,
    out_type=jax.ShapeDtypeStruct((NC * N_PAD, IN_DIM), jnp.float32),
    mesh=_mesh,
    scratch_types=[
        pltpu.VMEM((IBLK, CHUNK), jnp.int32),
        pltpu.VMEM((IBLK, CHUNK), jnp.int32),
        pltpu.VMEM((CHUNK, IN_DIM), jnp.float32),
        pltpu.VMEM((CHUNK, IN_DIM), jnp.float32),
        pltpu.VMEM_SHARED((N_PAD, IN_DIM), jnp.float32),
        pltpu.SemaphoreType.DMA,
        pltpu.SemaphoreType.DMA,
    ],
)
def _sc_edge(g_hbm, src_hbm, dst_hbm, out_hbm, si_v, di_v, buf_a, buf_b,
             acc_sh, sem_ga, sem_gb):
    c = lax.axis_index("c")
    s = lax.axis_index("s")

    base = c * N_PAD + s * ROWS_PER_TILE
    pltpu.sync_copy(
        g_hbm.at[pl.ds(base, ROWS_PER_TILE)],
        acc_sh.at[pl.ds(s * ROWS_PER_TILE, ROWS_PER_TILE)],
    )
    plsc.subcore_barrier()

    def _block(j0, carry):
        pltpu.sync_copy(src_hbm.at[s, pl.ds(j0 * IBLK, IBLK)], si_v)
        pltpu.sync_copy(dst_hbm.at[s, pl.ds(j0 * IBLK, IBLK)], di_v)

        @pl.when(c == 1)
        def _():
            def _shift(j, cc):
                for k in range(CHUNK // 16):
                    sl = pl.ds(k * 16, 16)
                    si_v[j, sl] = si_v[j, sl] + N_PAD
                return cc
            lax.fori_loop(0, IBLK, _shift, 0)

        pltpu.async_copy(g_hbm.at[si_v.at[0]], buf_a, sem_ga)

        def _pair(j, cc):
            a = 2 * j
            b = a + 1
            pltpu.async_copy(g_hbm.at[si_v.at[b]], buf_b, sem_gb)
            pltpu.make_async_copy(g_hbm.at[si_v.at[a]], buf_a, sem_ga).wait()
            pltpu.sync_copy(buf_a, acc_sh.at[di_v.at[a]], add=True)

            @pl.when(j < IBLK // 2 - 1)
            def _():
                pltpu.async_copy(g_hbm.at[si_v.at[a + 2]], buf_a, sem_ga)

            pltpu.make_async_copy(g_hbm.at[si_v.at[b]], buf_b, sem_gb).wait()
            pltpu.sync_copy(buf_b, acc_sh.at[di_v.at[b]], add=True)
            return cc
        lax.fori_loop(0, IBLK // 2, _pair, 0)
        return carry
    lax.fori_loop(0, N_IBLK, _block, 0)
    plsc.subcore_barrier()

    pltpu.sync_copy(
        acc_sh.at[pl.ds(s * ROWS_PER_TILE, ROWS_PER_TILE)],
        out_hbm.at[pl.ds(base, ROWS_PER_TILE)],
    )


def _to_col(v16):
    e1 = (lax.broadcasted_iota(jnp.int32, (RBLK, 16), 0) // 128
          == lax.broadcasted_iota(jnp.int32, (RBLK, 16), 1)).astype(jnp.float32)
    a = jnp.dot(e1, v16, preferred_element_type=jnp.float32)
    m = (lax.broadcasted_iota(jnp.int32, (RBLK, 128), 0) % 128
         == lax.broadcasted_iota(jnp.int32, (RBLK, 128), 1)).astype(jnp.float32)
    return jnp.dot(a * m, jnp.ones((128, 1), jnp.float32),
                   preferred_element_type=jnp.float32)


def _dinv_block(deg_ref, i):
    d = _to_col(deg_ref[0, 0] + deg_ref[1, 0] + 1.0)
    r = lax.broadcasted_iota(jnp.int32, (RBLK, 1), 0) + i * RBLK
    return jnp.where(r < N_NODES, lax.rsqrt(d), 0.0)


def _tc1_body(x_ref, w_ref, deg_ref, g_ref):
    dinv = _dinv_block(deg_ref, pl.program_id(0))
    xw = jnp.dot(x_ref[...], w_ref[...], preferred_element_type=jnp.float32)
    g = xw * dinv
    g_ref[0, 0] = g[:, :IN_DIM]
    g_ref[1, 0] = g[:, IN_DIM:]


def _tc_layer1(xp, W1, deg4):
    return pl.pallas_call(
        _tc1_body,
        grid=(N_RBLK,),
        in_specs=[
            pl.BlockSpec((RBLK, IN_DIM), lambda i: (i, 0)),
            pl.BlockSpec((IN_DIM, HIDDEN), lambda i: (0, 0)),
            pl.BlockSpec((2, 1, 16, 128), lambda i: (0, i, 0, 0)),
        ],
        out_specs=pl.BlockSpec((2, 1, RBLK, IN_DIM), lambda i: (0, i, 0, 0)),
        out_shape=jax.ShapeDtypeStruct((2, N_RBLK, RBLK, IN_DIM), jnp.float32),
    )(xp, W1, deg4)


def _tc2_body(acc_ref, deg_ref, b1_ref, w_ref, g_ref):
    dinv = _dinv_block(deg_ref, pl.program_id(0))
    h = jnp.concatenate([acc_ref[0, 0], acc_ref[1, 0]], axis=1)
    h1 = jax.nn.relu(h * dinv + b1_ref[...])
    hw = jnp.dot(h1, w_ref[...], preferred_element_type=jnp.float32)
    g = hw * dinv
    g_ref[0, 0] = g[:, :IN_DIM]
    g_ref[1, 0] = g[:, IN_DIM:]


def _tc_layer2(acc4, deg4, b1r, W2):
    return pl.pallas_call(
        _tc2_body,
        grid=(N_RBLK,),
        in_specs=[
            pl.BlockSpec((2, 1, RBLK, IN_DIM), lambda i: (0, i, 0, 0)),
            pl.BlockSpec((2, 1, 16, 128), lambda i: (0, i, 0, 0)),
            pl.BlockSpec((1, HIDDEN), lambda i: (0, 0)),
            pl.BlockSpec((HIDDEN, HIDDEN), lambda i: (0, 0)),
        ],
        out_specs=pl.BlockSpec((2, 1, RBLK, IN_DIM), lambda i: (0, i, 0, 0)),
        out_shape=jax.ShapeDtypeStruct((2, N_RBLK, RBLK, IN_DIM), jnp.float32),
    )(acc4, deg4, b1r, W2)


def _tc3_body(acc_ref, deg_ref, b2_ref, bt_ref, w3_ref, b3_ref, out_ref,
              pooled):
    i = pl.program_id(0)
    dinv = _dinv_block(deg_ref, i)
    h = jnp.concatenate([acc_ref[0, 0], acc_ref[1, 0]], axis=1)
    h2 = jax.nn.relu(h * dinv + b2_ref[...])
    bt = _to_col(bt_ref[0].astype(jnp.float32))
    seg = lax.broadcasted_iota(jnp.int32, (RBLK, N_GRAPHS), 1).astype(jnp.float32)
    oh = (bt == seg).astype(jnp.float32)
    part = lax.dot_general(oh, h2, (((0,), (0,)), ((), ())),
                           preferred_element_type=jnp.float32)

    @pl.when(i == 0)
    def _():
        pooled[...] = jnp.zeros_like(pooled)

    pooled[...] += part

    @pl.when(i == N_RBLK - 1)
    def _():
        out_ref[...] = (
            jnp.dot(pooled[...], w3_ref[...], preferred_element_type=jnp.float32)
            + b3_ref[...]
        )


def _tc_head(acc4, deg4, b2r, batchr, W3, b3r):
    return pl.pallas_call(
        _tc3_body,
        grid=(N_RBLK,),
        in_specs=[
            pl.BlockSpec((2, 1, RBLK, IN_DIM), lambda i: (0, i, 0, 0)),
            pl.BlockSpec((2, 1, 16, 128), lambda i: (0, i, 0, 0)),
            pl.BlockSpec((1, HIDDEN), lambda i: (0, 0)),
            pl.BlockSpec((1, 16, 128), lambda i: (i, 0, 0)),
            pl.BlockSpec((HIDDEN, OUT_DIM), lambda i: (0, 0)),
            pl.BlockSpec((1, OUT_DIM), lambda i: (0, 0)),
        ],
        out_specs=pl.BlockSpec((N_GRAPHS, OUT_DIM), lambda i: (0, 0)),
        out_shape=jax.ShapeDtypeStruct((N_GRAPHS, OUT_DIM), jnp.float32),
        scratch_shapes=[pltpu.VMEM((N_GRAPHS, HIDDEN), jnp.float32)],
    )(acc4, deg4, b2r, batchr, W3, b3r)


def kernel(x, edge_index, batch, W1, b1, W2, b2, W3, b3):
    ei = edge_index.astype(jnp.int32)
    n_extra = E_PAD - N_EDGES
    pad_idx = N_NODES + (jnp.arange(n_extra, dtype=jnp.int32) % (N_PAD - N_NODES))
    src_e = jnp.concatenate([ei[0], pad_idx]).reshape(NS, EDGE_CHUNKS, CHUNK)
    dst_e = jnp.concatenate([ei[1], pad_idx]).reshape(NS, EDGE_CHUNKS, CHUNK)

    xp = jnp.pad(x, ((0, N_PAD - N_NODES), (0, 0)))
    batch_p = jnp.pad(batch.astype(jnp.int32), (0, N_PAD - N_NODES),
                      constant_values=N_GRAPHS).reshape(N_RBLK, 16, 128)
    b1r = b1.reshape(1, HIDDEN)
    b2r = b2.reshape(1, HIDDEN)
    b3r = b3.reshape(1, OUT_DIM)

    deg = _sc_degree(dst_e)
    deg4 = deg.reshape(NC, N_RBLK, 16, 128)
    g1 = _tc_layer1(xp, W1, deg4)
    acc1 = _sc_edge(g1.reshape(NC * N_PAD, IN_DIM), src_e, dst_e)
    g2 = _tc_layer2(acc1.reshape(NC, N_RBLK, RBLK, IN_DIM), deg4, b1r, W2)
    acc2 = _sc_edge(g2.reshape(NC * N_PAD, IN_DIM), src_e, dst_e)
    return _tc_head(acc2.reshape(NC, N_RBLK, RBLK, IN_DIM), deg4, b2r,
                    batch_p, W3, b3r)

# --- scband reference (transcript-rebuilt; emitter-appended) ---
"""Pipeline reference for scband-net-37598143709629 (READ-ONLY COPY).

The authoritative reference and input builder live on the scoring server;
editing this copy changes nothing except your own understanding.
"""

import jax, jax.numpy as jnp
import numpy as np

NUM_NODES = 10000
NUM_EDGES = 320000
IN_DIM = 128
HIDDEN = 256
OUT_DIM = 12
NUM_GRAPHS = 64


def gcn_conv(x, edge_index, W, b):
    num_nodes = x.shape[0]
    src = edge_index[0]
    dst = edge_index[1]
    # add self loops (PyG GCNConv default)
    loop = jnp.arange(num_nodes, dtype=edge_index.dtype)
    src = jnp.concatenate([src, loop])
    dst = jnp.concatenate([dst, loop])
    # symmetric normalization deg^-1/2 A_hat deg^-1/2
    deg = jnp.zeros((num_nodes,), dtype=x.dtype).at[dst].add(1.0)
    deg_inv_sqrt = jnp.where(deg > 0, deg ** -0.5, 0.0)
    norm = deg_inv_sqrt[src] * deg_inv_sqrt[dst]
    h = x @ W
    msg = h[src] * norm[:, None]
    out = jnp.zeros((num_nodes, W.shape[1]), dtype=x.dtype).at[dst].add(msg)
    return out + b


def setup_inputs(seed: int = 0) -> dict:
    key = jax.random.key(seed)
    k = jax.random.split(key, 9)
    x = jax.random.normal(k[0], (NUM_NODES, IN_DIM), dtype=jnp.float32)
    edge_index = jax.random.randint(k[1], (2, NUM_EDGES), 0, NUM_NODES, dtype=jnp.int64)
    batch = jnp.sort(jax.random.randint(k[2], (NUM_NODES,), 0, NUM_GRAPHS, dtype=jnp.int64))
    s1 = 1.0 / np.sqrt(IN_DIM)
    s2 = 1.0 / np.sqrt(HIDDEN)
    W1 = jax.random.uniform(k[3], (IN_DIM, HIDDEN), jnp.float32, -s1, s1)
    b1 = jnp.zeros((HIDDEN,), jnp.float32)
    W2 = jax.random.uniform(k[4], (HIDDEN, HIDDEN), jnp.float32, -s2, s2)
    b2 = jnp.zeros((HIDDEN,), jnp.float32)
    W3 = jax.random.uniform(k[5], (HIDDEN, OUT_DIM), jnp.float32, -s2, s2)
    b3 = jax.random.uniform(k[6], (OUT_DIM,), jnp.float32, -s2, s2)
    return {"x": x, "edge_index": edge_index, "batch": batch,
            "W1": W1, "b1": b1, "W2": W2, "b2": b2, "W3": W3, "b3": b3}


def reference(x, edge_index, batch, W1, b1, W2, b2, W3, b3):
    h = jax.nn.relu(gcn_conv(x, edge_index, W1, b1))
    h = jax.nn.relu(gcn_conv(h, edge_index, W2, b2))
    pooled = jax.ops.segment_sum(h, batch, num_segments=NUM_GRAPHS)
    return pooled @ W3 + b3

if __name__ == "__main__":
    import jax
    _d = setup_inputs()
    print(jax.jit(kernel)(*tuple(_d.values())))

</pallas_src>

<mosaic_0001>
#map = affine_map<(d0, d1) -> (0, 0, 0)>
#map1 = affine_map<(d0, d1) -> (0)>
module attributes {stable_mosaic.version = 14 : i64} {
  func.func @_sc_degree(%arg0: i32, %arg1: i32, %arg2: memref<16x160x128xi32, #tpu.memory_space<hbm>>, %arg3: memref<20480xf32, #tpu.memory_space<hbm>>, %arg4: memref<80x128xi32, #tpu.memory_space<vmem>>, %arg5: memref<640xf32, #tpu.memory_space<vmem>>, %arg6: memref<128xf32, #tpu.memory_space<vmem>>, %arg7: memref<10240xf32, #tpu.memory_space<vmem_shared>>) attributes {dimension_semantics = [#tpu.dimension_semantics<core_parallel>, #tpu.dimension_semantics<subcore_parallel>], iteration_bounds = array<i64: 2, 16>, scalar_prefetch = 0 : i64, scratch_operands = 4 : i64, tpu.core_type = #tpu.core_type<sc_vector_subcore>, window_params = [{transform_indices = #map}, {transform_indices = #map1}]} {
    %mul3A = arith.constant 16 : i32
    %mul3A_0 = arith.muli %arg0, %mul3A : i32
    %add3A = arith.addi %mul3A_0, %arg1 : i32
    %jit3A = arith.constant 2 : i32
    %div3A = arith.divsi %add3A, %jit3A : i32
    %sign3A = arith.constant 0 : i32
    %sign3A_1 = arith.cmpi sgt, %add3A, %sign3A : i32
    %sign3A_2 = arith.extui %sign3A_1 : i1 to i32
    %sign3A_3 = arith.constant 0 : i32
    %sign3A_4 = arith.cmpi slt, %add3A, %sign3A_3 : i32
    %sign3A_5 = arith.extui %sign3A_4 : i1 to i32
    %sign3A_6 = arith.subi %sign3A_2, %sign3A_5 : i32
    %sign3A_7 = arith.constant 0 : i32
    %sign3A_8 = arith.cmpi sgt, %jit3A, %sign3A_7 : i32
    %sign3A_9 = arith.extui %sign3A_8 : i1 to i32
    %sign3A_10 = arith.constant 0 : i32
    %sign3A_11 = arith.cmpi slt, %jit3A, %sign3A_10 : i32
    %sign3A_12 = arith.extui %sign3A_11 : i1 to i32
    %sign3A_13 = arith.subi %sign3A_9, %sign3A_12 : i32
    %ne3A = arith.cmpi ne, %sign3A_6, %sign3A_13 : i32
    %rem3A = arith.remsi %add3A, %jit3A : i32
    %ne3A_14 = arith.constant 0 : i32
    %ne3A_15 = arith.cmpi ne, %rem3A, %ne3A_14 : i32
    %and3A = arith.andi %ne3A, %ne3A_15 : i1
    %sub3A = arith.constant 1 : i32
    %sub3A_16 = arith.subi %div3A, %sub3A : i32
    %select_n3A = arith.select %and3A, %sub3A_16, %div3A : i32
    %jit3A_17 = arith.constant 2 : i32
    %eq3A = arith.constant 0 : i32
    %eq3A_18 = arith.cmpi eq, %jit3A_17, %eq3A : i32
    %jit3A_19 = arith.constant 1 : i32
    %select_n3A_20 = arith.select %eq3A_18, %jit3A_19, %jit3A_17 : i32
    %rem3A_21 = arith.remsi %add3A, %select_n3A_20 : i32
    %ne3A_22 = arith.constant 0 : i32
    %ne3A_23 = arith.cmpi ne, %rem3A_21, %ne3A_22 : i32
    %lt3A = arith.constant 0 : i32
    %lt3A_24 = arith.cmpi slt, %rem3A_21, %lt3A : i32
    %lt3A_25 = arith.constant 0 : i32
    %lt3A_26 = arith.cmpi slt, %select_n3A_20, %lt3A_25 : i32
    %ne3A_27 = arith.xori %lt3A_24, %lt3A_26 : i1
    %and3A_28 = arith.andi %ne3A_27, %ne3A_23 : i1
    %add3A_29 = arith.addi %rem3A_21, %select_n3A_20 : i32
    %select_n3A_30 = arith.select %and3A_28, %add3A_29, %rem3A_21 : i32
    %mul3A_31 = arith.constant 80 : i32
    %mul3A_32 = arith.muli %select_n3A_30, %mul3A_31 : i32
    "tpu.region"() ({
      %run_scoped3A = tpu.sem_alloc : memref<!tpu.dma_semaphore, #tpu.memory_space<semaphore_mem>>
      %dma_start3A = arith.constant 0 : i32
      %dma_start3A_100 = tpu.memref_slice %arg2[%select_n3A, %mul3A_32, %dma_start3A] : memref<16x160x128xi32, #tpu.memory_space<hbm>> -> memref<1x80x128xi32, #tpu.memory_space<hbm>>
      %dma_start3A_101 = tpu.memref_squeeze %dma_start3A_100 : memref<1x80x128xi32, #tpu.memory_space<hbm>> -> memref<80x128xi32, #tpu.memory_space<hbm>>
      %dma_start3A_102 = arith.constant 0 : i32
      %dma_start3A_103 = tpu.memref_slice %arg2[%select_n3A, %mul3A_32, %dma_start3A_102] : memref<16x160x128xi32, #tpu.memory_space<hbm>> -> memref<1x80x128xi32, #tpu.memory_space<hbm>>
      %dma_start3A_104 = tpu.memref_squeeze %dma_start3A_103 : memref<1x80x128xi32, #tpu.memory_space<hbm>> -> memref<80x128xi32, #tpu.memory_space<hbm>>
      tpu.enqueue_dma source(%dma_start3A_104 : memref<80x128xi32, #tpu.memory_space<hbm>>) target(%arg4 : memref<80x128xi32, #tpu.memory_space<vmem>>) target_semaphore(%run_scoped3A : memref<!tpu.dma_semaphore, #tpu.memory_space<semaphore_mem>>)
      %dma_wait3A = arith.constant 0 : i32
      %dma_wait3A_105 = tpu.memref_slice %arg2[%select_n3A, %mul3A_32, %dma_wait3A] : memref<16x160x128xi32, #tpu.memory_space<hbm>> -> memref<1x80x128xi32, #tpu.memory_space<hbm>>
      %dma_wait3A_106 = tpu.memref_squeeze %dma_wait3A_105 : memref<1x80x128xi32, #tpu.memory_space<hbm>> -> memref<80x128xi32, #tpu.memory_space<hbm>>
      %dma_wait3A_107 = arith.constant 0 : i32
      %dma_wait3A_108 = tpu.memref_slice %arg2[%select_n3A, %mul3A_32, %dma_wait3A_107] : memref<16x160x128xi32, #tpu.memory_space<hbm>> -> memref<1x80x128xi32, #tpu.memory_space<hbm>>
      %dma_wait3A_109 = tpu.memref_squeeze %dma_wait3A_108 : memref<1x80x128xi32, #tpu.memory_space<hbm>> -> memref<80x128xi32, #tpu.memory_space<hbm>>
      tpu.wait_dma2 semaphore(%run_scoped3A : memref<!tpu.dma_semaphore, #tpu.memory_space<semaphore_mem>>) src(%dma_wait3A_109 : memref<80x128xi32, #tpu.memory_space<hbm>>) dst(%arg4 : memref<80x128xi32, #tpu.memory_space<vmem>>)
      tpu.yield
    }) : () -> ()
    %scan3A = arith.constant 0 : i32
    %scan3A_33 = arith.constant 0 : i32
    %scan3A_34 = arith.constant 40 : i32
    %scan3A_35 = arith.addi %scan3A_33, %scan3A_34 : i32
    %scan3A_36 = arith.constant 1 : i32
    scf.for %scan3A_100 = %scan3A_33 to %scan3A_35 step %scan3A_36  : i32 {
      %broadcast_in_dim3A_101 = arith.constant 0.000000e+00 : f32
      %broadcast_in_dim3A_102 = vector.broadcast %broadcast_in_dim3A_101 : f32 to vector<16xf32>
      %mul3A_103 = arith.constant 16 : i32
      %mul3A_104 = arith.muli %scan3A_100, %mul3A_103 : i32
      %swap3A_105 = arith.index_cast %mul3A_104 : i32 to index
      %swap3A_106 = tpu.vector_load %arg5[%swap3A_105] {strides = array<i32>} : memref<640xf32, #tpu.memory_space<vmem>>, vector<16xf32>,
      %swap3A_107 = vector.shape_cast %swap3A_106 : vector<16xf32> to vector<16xf32>
      %swap3A_108 = vector.shape_cast %broadcast_in_dim3A_102 : vector<16xf32> to vector<16xf32>
      tpu.vector_store %arg5[%swap3A_105], %swap3A_108 {strides = array<i32>} : memref<640xf32, #tpu.memory_space<vmem>>, vector<16xf32>,
    }
    %scan3A_37 = arith.constant 40 : i32
    %broadcast_in_dim3A = arith.constant 1.000000e+00 : f32
    %broadcast_in_dim3A_38 = vector.broadcast %broadcast_in_dim3A : f32 to vector<16xf32>
    %swap3A = arith.constant 0 : index
    %swap3A_39 = tpu.vector_load %arg6[%swap3A] {strides = array<i32>} : memref<128xf32, #tpu.memory_space<vmem>>, vector<16xf32>,
    %swap3A_40 = vector.shape_cast %swap3A_39 : vector<16xf32> to vector<16xf32>
    %swap3A_41 = vector.shape_cast %broadcast_in_dim3A_38 : vector<16xf32> to vector<16xf32>
    tpu.vector_store %arg6[%swap3A], %swap3A_41 {strides = array<i32>} : memref<128xf32, #tpu.memory_space<vmem>>, vector<16xf32>,
    %broadcast_in_dim3A_42 = arith.constant 1.000000e+00 : f32
    %broadcast_in_dim3A_43 = vector.broadcast %broadcast_in_dim3A_42 : f32 to vector<16xf32>
    %swap3A_44 = arith.constant 16 : index
    %swap3A_45 = tpu.vector_load %arg6[%swap3A_44] {strides = array<i32>} : memref<128xf32, #tpu.memory_space<vmem>>, vector<16xf32>,
    %swap3A_46 = vector.shape_cast %swap3A_45 : vector<16xf32> to vector<16xf32>
    %swap3A_47 = vector.shape_cast %broadcast_in_dim3A_43 : vector<16xf32> to vector<16xf32>
    tpu.vector_store %arg6[%swap3A_44], %swap3A_47 {strides = array<i32>} : memref<128xf32, #tpu.memory_space<vmem>>, vector<16xf32>,
    %broadcast_in_dim3A_48 = arith.constant 1.000000e+00 : f32
    %broadcast_in_dim3A_49 = vector.broadcast %broadcast_in_dim3A_48 : f32 to vector<16xf32>
    %swap3A_50 = arith.constant 32 : index
    %swap3A_51 = tpu.vector_load %arg6[%swap3A_50] {strides = array<i32>} : memref<128xf32, #tpu.memory_space<vmem>>, vector<16xf32>,
    %swap3A_52 = vector.shape_cast %swap3A_51 : vector<16xf32> to vector<16xf32>
    %swap3A_53 = vector.shape_cast %broadcast_in_dim3A_49 : vector<16xf32> to vector<16xf32>
    tpu.vector_store %arg6[%swap3A_50], %swap3A_53 {strides = array<i32>} : memref<128xf32, #tpu.memory_space<vmem>>, vector<16xf32>,
    %broadcast_in_dim3A_54 = arith.constant 1.000000e+00 : f32
    %broadcast_in_dim3A_55 = vector.broadcast %broadcast_in_dim3A_54 : f32 to vector<16xf32>
    %swap3A_56 = arith.constant 48 : index
    %swap3A_57 = tpu.vector_load %arg6[%swap3A_56] {strides = array<i32>} : memref<128xf32, #tpu.memory_space<vmem>>, vector<16xf32>,
    %swap3A_58 = vector.shape_cast %swap3A_57 : vector<16xf32> to vector<16xf32>
    %swap3A_59 = vector.shape_cast %broadcast_in_dim3A_55 : vector<16xf32> to vector<16xf32>
    tpu.vector_store %arg6[%swap3A_56], %swap3A_59 {strides = array<i32>} : memref<128xf32, #tpu.memory_space<vmem>>, vector<16xf32>,
    %broadcast_in_dim3A_60 = arith.constant 1.000000e+00 : f32
    %broadcast_in_dim3A_61 = vector.broadcast %broadcast_in_dim3A_60 : f32 to vector<16xf32>
    %swap3A_62 = arith.constant 64 : index
    %swap3A_63 = tpu.vector_load %arg6[%swap3A_62] {strides = array<i32>} : memref<128xf32, #tpu.memory_space<vmem>>, vector<16xf32>,
    %swap3A_64 = vector.shape_cast %swap3A_63 : vector<16xf32> to vector<16xf32>
    %swap3A_65 = vector.shape_cast %broadcast_in_dim3A_61 : vector<16xf32> to vector<16xf32>
    tpu.vector_store %arg6[%swap3A_62], %swap3A_65 {strides = array<i32>} : memref<128xf32, #tpu.memory_space<vmem>>, vector<16xf32>,
    %broadcast_in_dim3A_66 = arith.constant 1.000000e+00 : f32
    %broadcast_in_dim3A_67 = vector.broadcast %broadcast_in_dim3A_66 : f32 to vector<16xf32>
    %swap3A_68 = arith.constant 80 : index
    %swap3A_69 = tpu.vector_load %arg6[%swap3A_68] {strides = array<i32>} : memref<128xf32, #tpu.memory_space<vmem>>, vector<16xf32>,
    %swap3A_70 = vector.shape_cast %swap3A_69 : vector<16xf32> to vector<16xf32>
    %swap3A_71 = vector.shape_cast %broadcast_in_dim3A_67 : vector<16xf32> to vector<16xf32>
    tpu.vector_store %arg6[%swap3A_68], %swap3A_71 {strides = array<i32>} : memref<128xf32, #tpu.memory_space<vmem>>, vector<16xf32>,
    %broadcast_in_dim3A_72 = arith.constant 1.000000e+00 : f32
    %broadcast_in_dim3A_73 = vector.broadcast %broadcast_in_dim3A_72 : f32 to vector<16xf32>
    %swap3A_74 = arith.constant 96 : index
    %swap3A_75 = tpu.vector_load %arg6[%swap3A_74] {strides = array<i32>} : memref<128xf32, #tpu.memory_space<vmem>>, vector<16xf32>,
    %swap3A_76 = vector.shape_cast %swap3A_75 : vector<16xf32> to vector<16xf32>
    %swap3A_77 = vector.shape_cast %broadcast_in_dim3A_73 : vector<16xf32> to vector<16xf32>
    tpu.vector_store %arg6[%swap3A_74], %swap3A_77 {strides = array<i32>} : memref<128xf32, #tpu.memory_space<vmem>>, vector<16xf32>,
    %broadcast_in_dim3A_78 = arith.constant 1.000000e+00 : f32
    %broadcast_in_dim3A_79 = vector.broadcast %broadcast_in_dim3A_78 : f32 to vector<16xf32>
    %swap3A_80 = arith.constant 112 : index
    %swap3A_81 = tpu.vector_load %arg6[%swap3A_80] {strides = array<i32>} : memref<128xf32, #tpu.memory_space<vmem>>, vector<16xf32>,
    %swap3A_82 = vector.shape_cast %swap3A_81 : vector<16xf32> to vector<16xf32>
    %swap3A_83 = vector.shape_cast %broadcast_in_dim3A_79 : vector<16xf32> to vector<16xf32>
    tpu.vector_store %arg6[%swap3A_80], %swap3A_83 {strides = array<i32>} : memref<128xf32, #tpu.memory_space<vmem>>, vector<16xf32>,
    %mul3A_84 = arith.constant 640 : i32
    %mul3A_85 = arith.muli %arg1, %mul3A_84 : i32
    "tpu.region"() ({
      %run_scoped3A = tpu.sem_alloc : memref<!tpu.dma_semaphore, #tpu.memory_space<semaphore_mem>>
      %dma_start3A = tpu.memref_slice %arg7[%mul3A_85] : memref<10240xf32, #tpu.memory_space<vmem_shared>> -> memref<640xf32, #tpu.memory_space<vmem_shared>>
      %dma_start3A_100 = tpu.memref_slice %arg7[%mul3A_85] : memref<10240xf32, #tpu.memory_space<vmem_shared>> -> memref<640xf32, #tpu.memory_space<vmem_shared>>
      tpu.enqueue_dma source(%arg5 : memref<640xf32, #tpu.memory_space<vmem>>) target(%dma_start3A_100 : memref<640xf32, #tpu.memory_space<vmem_shared>>) target_semaphore(%run_scoped3A : memref<!tpu.dma_semaphore, #tpu.memory_space<semaphore_mem>>)
      %dma_wait3A = tpu.memref_slice %arg7[%mul3A_85] : memref<10240xf32, #tpu.memory_space<vmem_shared>> -> memref<640xf32, #tpu.memory_space<vmem_shared>>
      %dma_wait3A_101 = tpu.memref_slice %arg7[%mul3A_85] : memref<10240xf32, #tpu.memory_space<vmem_shared>> -> memref<640xf32, #tpu.memory_space<vmem_shared>>
      tpu.wait_dma2 semaphore(%run_scoped3A : memref<!tpu.dma_semaphore, #tpu.memory_space<semaphore_mem>>) src(%arg5 : memref<640xf32, #tpu.memory_space<vmem>>) dst(%dma_wait3A_101 : memref<640xf32, #tpu.memory_space<vmem_shared>>)
      tpu.yield
    }) : () -> ()
    %barrier3A = arith.constant 0 : index
    tpu.barrier barrier_id(%barrier3A)
    %scan3A_86 = arith.constant 0 : i32
    %scan3A_87 = arith.constant 0 : i32
    %scan3A_88 = arith.constant 80 : i32
    %scan3A_89 = arith.addi %scan3A_87, %scan3A_88 : i32
    %scan3A_90 = arith.constant 1 : i32
    scf.for %scan3A_100 = %scan3A_87 to %scan3A_89 step %scan3A_90  : i32 {
      "tpu.region"() ({
        %run_scoped3A = tpu.sem_alloc : memref<!tpu.dma_semaphore, #tpu.memory_space<semaphore_mem>>
        %dma_start3A = arith.constant 0 : i32
        %dma_start3A_101 = tpu.memref_slice %arg4[%scan3A_100, %dma_start3A] : memref<80x128xi32, #tpu.memory_space<vmem>> -> memref<1x128xi32, #tpu.memory_space<vmem>>
        %dma_start3A_102 = tpu.memref_squeeze %dma_start3A_101 : memref<1x128xi32, #tpu.memory_space<vmem>> -> memref<128xi32, #tpu.memory_space<vmem>>
        %dma_start3A_103 = arith.constant 0 : i32
        %dma_start3A_104 = tpu.memref_slice %arg7[%dma_start3A_103] : memref<10240xf32, #tpu.memory_space<vmem_shared>> -> memref<10240xf32, #tpu.memory_space<vmem_shared>>
        tpu.enqueue_indirect_dma source(%arg6 : memref<128xf32, #tpu.memory_space<vmem>>) target(%dma_start3A_104 : memref<10240xf32, #tpu.memory_space<vmem_shared>>) offsets(%dma_start3A_102 : memref<128xi32, #tpu.memory_space<vmem>>) semaphore(%run_scoped3A : memref<!tpu.dma_semaphore, #tpu.memory_space<semaphore_mem>>) {add = true}
        %dma_wait3A = arith.constant 0 : i32
        %dma_wait3A_105 = tpu.memref_slice %arg4[%scan3A_100, %dma_wait3A] : memref<80x128xi32, #tpu.memory_space<vmem>> -> memref<1x128xi32, #tpu.memory_space<vmem>>
        %dma_wait3A_106 = tpu.memref_squeeze %dma_wait3A_105 : memref<1x128xi32, #tpu.memory_space<vmem>> -> memref<128xi32, #tpu.memory_space<vmem>>
        %dma_wait3A_107 = arith.constant 0 : i32
        %dma_wait3A_108 = tpu.memref_slice %arg7[%dma_wait3A_107] : memref<10240xf32, #tpu.memory_space<vmem_shared>> -> memref<10240xf32, #tpu.memory_space<vmem_shared>>
        tpu.wait_indirect_dma semaphore(%run_scoped3A : memref<!tpu.dma_semaphore, #tpu.memory_space<semaphore_mem>>) src(%arg6 : memref<128xf32, #tpu.memory_space<vmem>>) dst(%dma_wait3A_108 : memref<10240xf32, #tpu.memory_space<vmem_shared>>)
        tpu.yield
      }) : () -> ()
    }
    %scan3A_91 = arith.constant 80 : i32
    %barrier3A_92 = arith.constant 0 : index
    tpu.barrier barrier_id(%barrier3A_92)
    %mul3A_93 = arith.constant 640 : i32
    %mul3A_94 = arith.muli %arg1, %mul3A_93 : i32
    %mul3A_95 = arith.constant 10240 : i32
    %mul3A_96 = arith.muli %arg0, %mul3A_95 : i32
    %mul3A_97 = arith.constant 640 : i32
    %mul3A_98 = arith.muli %arg1, %mul3A_97 : i32
    %add3A_99 = arith.addi %mul3A_96, %mul3A_98 : i32
    "tpu.region"() ({
      %run_scoped3A = tpu.sem_alloc : memref<!tpu.dma_semaphore, #tpu.memory_space<semaphore_mem>>
      %dma_start3A = tpu.memref_slice %arg3[%add3A_99] : memref<20480xf32, #tpu.memory_space<hbm>> -> memref<640xf32, #tpu.memory_space<hbm>>
      %dma_start3A_100 = tpu.memref_slice %arg7[%mul3A_94] : memref<10240xf32, #tpu.memory_space<vmem_shared>> -> memref<640xf32, #tpu.memory_space<vmem_shared>>
      tpu.enqueue_dma source(%dma_start3A_100 : memref<640xf32, #tpu.memory_space<vmem_shared>>) target(%dma_start3A : memref<640xf32, #tpu.memory_space<hbm>>) target_semaphore(%run_scoped3A : memref<!tpu.dma_semaphore, #tpu.memory_space<semaphore_mem>>)
      %dma_wait3A = tpu.memref_slice %arg3[%add3A_99] : memref<20480xf32, #tpu.memory_space<hbm>> -> memref<640xf32, #tpu.memory_space<hbm>>
      %dma_wait3A_101 = tpu.memref_slice %arg7[%mul3A_94] : memref<10240xf32, #tpu.memory_space<vmem_shared>> -> memref<640xf32, #tpu.memory_space<vmem_shared>>
      tpu.wait_dma2 semaphore(%run_scoped3A : memref<!tpu.dma_semaphore, #tpu.memory_space<semaphore_mem>>) src(%dma_wait3A_101 : memref<640xf32, #tpu.memory_space<vmem_shared>>) dst(%dma_wait3A : memref<640xf32, #tpu.memory_space<hbm>>)
      tpu.yield
    }) : () -> ()
    return
  }
}

#map = affine_map<(d0, d1) -> (0, 0)>
#map1 = affine_map<(d0, d1) -> (0, 0, 0)>
module attributes {stable_mosaic.version = 14 : i64} {
  func.func @_sc_edge(%arg0: i32, %arg1: i32, %arg2: memref<20480x128xf32, #tpu.memory_space<hbm>>, %arg3: memref<16x160x128xi32, #tpu.memory_space<hbm>>, %arg4: memref<16x160x128xi32, #tpu.memory_space<hbm>>, %arg5: memref<20480x128xf32, #tpu.memory_space<hbm>>, %arg6: memref<40x128xi32, #tpu.memory_space<vmem>>, %arg7: memref<40x128xi32, #tpu.memory_space<vmem>>, %arg8: memref<128x128xf32, #tpu.memory_space<vmem>>, %arg9: memref<128x128xf32, #tpu.memory_space<vmem>>, %arg10: memref<10240x128xf32, #tpu.memory_space<vmem_shared>>, %arg11: memref<!tpu.dma_semaphore, #tpu.memory_space<semaphore_mem>>, %arg12: memref<!tpu.dma_semaphore, #tpu.memory_space<semaphore_mem>>) attributes {dimension_semantics = [#tpu.dimension_semantics<core_parallel>, #tpu.dimension_semantics<subcore_parallel>], iteration_bounds = array<i64: 2, 16>, scalar_prefetch = 0 : i64, scratch_operands = 7 : i64, tpu.core_type = #tpu.core_type<sc_vector_subcore>, window_params = [{transform_indices = #map}, {transform_indices = #map1}, {transform_indices = #map1}, {transform_indices = #map}]} {
    %mul3A = arith.constant 10240 : i32
    %mul3A_0 = arith.muli %arg0, %mul3A : i32
    %mul3A_1 = arith.constant 640 : i32
    %mul3A_2 = arith.muli %arg1, %mul3A_1 : i32
    %add3A = arith.addi %mul3A_0, %mul3A_2 : i32
    %mul3A_3 = arith.constant 640 : i32
    %mul3A_4 = arith.muli %arg1, %mul3A_3 : i32
    "tpu.region"() ({
      %run_scoped3A = tpu.sem_alloc : memref<!tpu.dma_semaphore, #tpu.memory_space<semaphore_mem>>
      %dma_start3A = arith.constant 0 : i32
      %dma_start3A_13 = tpu.memref_slice %arg10[%mul3A_4, %dma_start3A] : memref<10240x128xf32, #tpu.memory_space<vmem_shared>> -> memref<640x128xf32, #tpu.memory_space<vmem_shared>>
      %dma_start3A_14 = arith.constant 0 : i32
      %dma_start3A_15 = tpu.memref_slice %arg2[%add3A, %dma_start3A_14] : memref<20480x128xf32, #tpu.memory_space<hbm>> -> memref<640x128xf32, #tpu.memory_space<hbm>>
      tpu.enqueue_dma source(%dma_start3A_15 : memref<640x128xf32, #tpu.memory_space<hbm>>) target(%dma_start3A_13 : memref<640x128xf32, #tpu.memory_space<vmem_shared>>) target_semaphore(%run_scoped3A : memref<!tpu.dma_semaphore, #tpu.memory_space<semaphore_mem>>)
      %dma_wait3A = arith.constant 0 : i32
      %dma_wait3A_16 = tpu.memref_slice %arg10[%mul3A_4, %dma_wait3A] : memref<10240x128xf32, #tpu.memory_space<vmem_shared>> -> memref<640x128xf32, #tpu.memory_space<vmem_shared>>
      %dma_wait3A_17 = arith.constant 0 : i32
      %dma_wait3A_18 = tpu.memref_slice %arg2[%add3A, %dma_wait3A_17] : memref<20480x128xf32, #tpu.memory_space<hbm>> -> memref<640x128xf32, #tpu.memory_space<hbm>>
      tpu.wait_dma2 semaphore(%run_scoped3A : memref<!tpu.dma_semaphore, #tpu.memory_space<semaphore_mem>>) src(%dma_wait3A_18 : memref<640x128xf32, #tpu.memory_space<hbm>>) dst(%dma_wait3A_16 : memref<640x128xf32, #tpu.memory_space<vmem_shared>>)
      tpu.yield
    }) : () -> ()
    %barrier3A = arith.constant 0 : index
    tpu.barrier barrier_id(%barrier3A)
    %scan3A = arith.constant 0 : i32
    %scan3A_5 = arith.constant 0 : i32
    %scan3A_6 = arith.constant 4 : i32
    %scan3A_7 = arith.addi %scan3A_5, %scan3A_6 : i32
    %scan3A_8 = arith.constant 1 : i32
    scf.for %scan3A_13 = %scan3A_5 to %scan3A_7 step %scan3A_8  : i32 {
      %mul3A_14 = arith.constant 40 : i32
      %mul3A_15 = arith.muli %scan3A_13, %mul3A_14 : i32
      "tpu.region"() ({
        %run_scoped3A = tpu.sem_alloc : memref<!tpu.dma_semaphore, #tpu.memory_space<semaphore_mem>>
        %dma_start3A_32 = arith.constant 0 : i32
        %dma_start3A_33 = tpu.memref_slice %arg3[%arg1, %mul3A_15, %dma_start3A_32] : memref<16x160x128xi32, #tpu.memory_space<hbm>> -> memref<1x40x128xi32, #tpu.memory_space<hbm>>
        %dma_start3A_34 = tpu.memref_squeeze %dma_start3A_33 : memref<1x40x128xi32, #tpu.memory_space<hbm>> -> memref<40x128xi32, #tpu.memory_space<hbm>>
        %dma_start3A_35 = arith.constant 0 : i32
        %dma_start3A_36 = tpu.memref_slice %arg3[%arg1, %mul3A_15, %dma_start3A_35] : memref<16x160x128xi32, #tpu.memory_space<hbm>> -> memref<1x40x128xi32, #tpu.memory_space<hbm>>
        %dma_start3A_37 = tpu.memref_squeeze %dma_start3A_36 : memref<1x40x128xi32, #tpu.memory_space<hbm>> -> memref<40x128xi32, #tpu.memory_space<hbm>>
        tpu.enqueue_dma source(%dma_start3A_37 : memref<40x128xi32, #tpu.memory_space<hbm>>) target(%arg6 : memref<40x128xi32, #tpu.memory_space<vmem>>) target_semaphore(%run_scoped3A : memref<!tpu.dma_semaphore, #tpu.memory_space<semaphore_mem>>)
        %dma_wait3A = arith.constant 0 : i32
        %dma_wait3A_38 = tpu.memref_slice %arg3[%arg1, %mul3A_15, %dma_wait3A] : memref<16x160x128xi32, #tpu.memory_space<hbm>> -> memref<1x40x128xi32, #tpu.memory_space<hbm>>
        %dma_wait3A_39 = tpu.memref_squeeze %dma_wait3A_38 : memref<1x40x128xi32, #tpu.memory_space<hbm>> -> memref<40x128xi32, #tpu.memory_space<hbm>>
        %dma_wait3A_40 = arith.constant 0 : i32
        %dma_wait3A_41 = tpu.memref_slice %arg3[%arg1, %mul3A_15, %dma_wait3A_40] : memref<16x160x128xi32, #tpu.memory_space<hbm>> -> memref<1x40x128xi32, #tpu.memory_space<hbm>>
        %dma_wait3A_42 = tpu.memref_squeeze %dma_wait3A_41 : memref<1x40x128xi32, #tpu.memory_space<hbm>> -> memref<40x128xi32, #tpu.memory_space<hbm>>
        tpu.wait_dma2 semaphore(%run_scoped3A : memref<!tpu.dma_semaphore, #tpu.memory_space<semaphore_mem>>) src(%dma_wait3A_42 : memref<40x128xi32, #tpu.memory_space<hbm>>) dst(%arg6 : memref<40x128xi32, #tpu.memory_space<vmem>>)
        tpu.yield
      }) : () -> ()
      %mul3A_16 = arith.constant 40 : i32
      %mul3A_17 = arith.muli %scan3A_13, %mul3A_16 : i32
      "tpu.region"() ({
        %run_scoped3A = tpu.sem_alloc : memref<!tpu.dma_semaphore, #tpu.memory_space<semaphore_mem>>
        %dma_start3A_32 = arith.constant 0 : i32
        %dma_start3A_33 = tpu.memref_slice %arg4[%arg1, %mul3A_17, %dma_start3A_32] : memref<16x160x128xi32, #tpu.memory_space<hbm>> -> memref<1x40x128xi32, #tpu.memory_space<hbm>>
        %dma_start3A_34 = tpu.memref_squeeze %dma_start3A_33 : memref<1x40x128xi32, #tpu.memory_space<hbm>> -> memref<40x128xi32, #tpu.memory_space<hbm>>
        %dma_start3A_35 = arith.constant 0 : i32
        %dma_start3A_36 = tpu.memref_slice %arg4[%arg1, %mul3A_17, %dma_start3A_35] : memref<16x160x128xi32, #tpu.memory_space<hbm>> -> memref<1x40x128xi32, #tpu.memory_space<hbm>>
        %dma_start3A_37 = tpu.memref_squeeze %dma_start3A_36 : memref<1x40x128xi32, #tpu.memory_space<hbm>> -> memref<40x128xi32, #tpu.memory_space<hbm>>
        tpu.enqueue_dma source(%dma_start3A_37 : memref<40x128xi32, #tpu.memory_space<hbm>>) target(%arg7 : memref<40x128xi32, #tpu.memory_space<vmem>>) target_semaphore(%run_scoped3A : memref<!tpu.dma_semaphore, #tpu.memory_space<semaphore_mem>>)
        %dma_wait3A = arith.constant 0 : i32
        %dma_wait3A_38 = tpu.memref_slice %arg4[%arg1, %mul3A_17, %dma_wait3A] : memref<16x160x128xi32, #tpu.memory_space<hbm>> -> memref<1x40x128xi32, #tpu.memory_space<hbm>>
        %dma_wait3A_39 = tpu.memref_squeeze %dma_wait3A_38 : memref<1x40x128xi32, #tpu.memory_space<hbm>> -> memref<40x128xi32, #tpu.memory_space<hbm>>
        %dma_wait3A_40 = arith.constant 0 : i32
        %dma_wait3A_41 = tpu.memref_slice %arg4[%arg1, %mul3A_17, %dma_wait3A_40] : memref<16x160x128xi32, #tpu.memory_space<hbm>> -> memref<1x40x128xi32, #tpu.memory_space<hbm>>
        %dma_wait3A_42 = tpu.memref_squeeze %dma_wait3A_41 : memref<1x40x128xi32, #tpu.memory_space<hbm>> -> memref<40x128xi32, #tpu.memory_space<hbm>>
        tpu.wait_dma2 semaphore(%run_scoped3A : memref<!tpu.dma_semaphore, #tpu.memory_space<semaphore_mem>>) src(%dma_wait3A_42 : memref<40x128xi32, #tpu.memory_space<hbm>>) dst(%arg7 : memref<40x128xi32, #tpu.memory_space<vmem>>)
        tpu.yield
      }) : () -> ()
      %eq3A = arith.constant 1 : i32
      %eq3A_18 = arith.cmpi eq, %arg0, %eq3A : i32
      %convert_element_type3A = arith.extui %eq3A_18 : i1 to i32
      %cond3A = arith.constant 0 : i32
      %cond3A_19 = arith.cmpi ne, %convert_element_type3A, %cond3A : i32
      scf.if %cond3A_19 {
        %scan3A_32 = arith.constant 0 : i32
        %scan3A_33 = arith.constant 0 : i32
        %scan3A_34 = arith.constant 40 : i32
        %scan3A_35 = arith.addi %scan3A_33, %scan3A_34 : i32
        %scan3A_36 = arith.constant 1 : i32
        scf.for %scan3A_38 = %scan3A_33 to %scan3A_35 step %scan3A_36  : i32 {
          %get3A = arith.index_cast %scan3A_38 : i32 to index
          %get3A_39 = arith.constant 0 : index
          %get3A_40 = tpu.vector_load %arg6[%get3A, %get3A_39] {strides = array<i32>} : memref<40x128xi32, #tpu.memory_space<vmem>>, vector<1x16xi32>,
          %get3A_41 = vector.shape_cast %get3A_40 : vector<1x16xi32> to vector<16xi32>
          %add3A_42 = arith.constant 10240 : i32
          %add3A_43 = vector.broadcast %add3A_42 : i32 to vector<16xi32>
          %add3A_44 = arith.addi %get3A_41, %add3A_43 : vector<16xi32>
          %swap3A = arith.index_cast %scan3A_38 : i32 to index
          %swap3A_45 = arith.constant 0 : index
          %swap3A_46 = tpu.vector_load %arg6[%swap3A, %swap3A_45] {strides = array<i32>} : memref<40x128xi32, #tpu.memory_space<vmem>>, vector<1x16xi32>,
          %swap3A_47 = vector.shape_cast %swap3A_46 : vector<1x16xi32> to vector<16xi32>
          %swap3A_48 = vector.shape_cast %add3A_44 : vector<16xi32> to vector<1x16xi32>
          tpu.vector_store %arg6[%swap3A, %swap3A_45], %swap3A_48 {strides = array<i32>} : memref<40x128xi32, #tpu.memory_space<vmem>>, vector<1x16xi32>,
          %get3A_49 = arith.index_cast %scan3A_38 : i32 to index
          %get3A_50 = arith.constant 16 : index
          %get3A_51 = tpu.vector_load %arg6[%get3A_49, %get3A_50] {strides = array<i32>} : memref<40x128xi32, #tpu.memory_space<vmem>>, vector<1x16xi32>,
          %get3A_52 = vector.shape_cast %get3A_51 : vector<1x16xi32> to vector<16xi32>
          %add3A_53 = arith.constant 10240 : i32
          %add3A_54 = vector.broadcast %add3A_53 : i32 to vector<16xi32>
          %add3A_55 = arith.addi %get3A_52, %add3A_54 : vector<16xi32>
          %swap3A_56 = arith.index_cast %scan3A_38 : i32 to index
          %swap3A_57 = arith.constant 16 : index
          %swap3A_58 = tpu.vector_load %arg6[%swap3A_56, %swap3A_57] {strides = array<i32>} : memref<40x128xi32, #tpu.memory_space<vmem>>, vector<1x16xi32>,
          %swap3A_59 = vector.shape_cast %swap3A_58 : vector<1x16xi32> to vector<16xi32>
          %swap3A_60 = vector.shape_cast %add3A_55 : vector<16xi32> to vector<1x16xi32>
          tpu.vector_store %arg6[%swap3A_56, %swap3A_57], %swap3A_60 {strides = array<i32>} : memref<40x128xi32, #tpu.memory_space<vmem>>, vector<1x16xi32>,
          %get3A_61 = arith.index_cast %scan3A_38 : i32 to index
          %get3A_62 = arith.constant 32 : index
          %get3A_63 = tpu.vector_load %arg6[%get3A_61, %get3A_62] {strides = array<i32>} : memref<40x128xi32, #tpu.memory_space<vmem>>, vector<1x16xi32>,
          %get3A_64 = vector.shape_cast %get3A_63 : vector<1x16xi32> to vector<16xi32>
          %add3A_65 = arith.constant 10240 : i32
          %add3A_66 = vector.broadcast %add3A_65 : i32 to vector<16xi32>
          %add3A_67 = arith.addi %get3A_64, %add3A_66 : vector<16xi32>
          %swap3A_68 = arith.index_cast %scan3A_38 : i32 to index
          %swap3A_69 = arith.constant 32 : index
          %swap3A_70 = tpu.vector_load %arg6[%swap3A_68, %swap3A_69] {strides = array<i32>} : memref<40x128xi32, #tpu.memory_space<vmem>>, vector<1x16xi32>,
          %swap3A_71 = vector.shape_cast %swap3A_70 : vector<1x16xi32> to vector<16xi32>
          %swap3A_72 = vector.shape_cast %add3A_67 : vector<16xi32> to vector<1x16xi32>
          tpu.vector_store %arg6[%swap3A_68, %swap3A_69], %swap3A_72 {strides = array<i32>} : memref<40x128xi32, #tpu.memory_space<vmem>>, vector<1x16xi32>,
          %get3A_73 = arith.index_cast %scan3A_38 : i32 to index
          %get3A_74 = arith.constant 48 : index
          %get3A_75 = tpu.vector_load %arg6[%get3A_73, %get3A_74] {strides = array<i32>} : memref<40x128xi32, #tpu.memory_space<vmem>>, vector<1x16xi32>,
          %get3A_76 = vector.shape_cast %get3A_75 : vector<1x16xi32> to vector<16xi32>
          %add3A_77 = arith.constant 10240 : i32
          %add3A_78 = vector.broadcast %add3A_77 : i32 to vector<16xi32>
          %add3A_79 = arith.addi %get3A_76, %add3A_78 : vector<16xi32>
          %swap3A_80 = arith.index_cast %scan3A_38 : i32 to index
          %swap3A_81 = arith.constant 48 : index
          %swap3A_82 = tpu.vector_load %arg6[%swap3A_80, %swap3A_81] {strides = array<i32>} : memref<40x128xi32, #tpu.memory_space<vmem>>, vector<1x16xi32>,
          %swap3A_83 = vector.shape_cast %swap3A_82 : vector<1x16xi32> to vector<16xi32>
          %swap3A_84 = vector.shape_cast %add3A_79 : vector<16xi32> to vector<1x16xi32>
          tpu.vector_store %arg6[%swap3A_80, %swap3A_81], %swap3A_84 {strides = array<i32>} : memref<40x128xi32, #tpu.memory_space<vmem>>, vector<1x16xi32>,
          %get3A_85 = arith.index_cast %scan3A_38 : i32 to index
          %get3A_86 = arith.constant 64 : index
          %get3A_87 = tpu.vector_load %arg6[%get3A_85, %get3A_86] {strides = array<i32>} : memref<40x128xi32, #tpu.memory_space<vmem>>, vector<1x16xi32>,
          %get3A_88 = vector.shape_cast %get3A_87 : vector<1x16xi32> to vector<16xi32>
          %add3A_89 = arith.constant 10240 : i32
          %add3A_90 = vector.broadcast %add3A_89 : i32 to vector<16xi32>
          %add3A_91 = arith.addi %get3A_88, %add3A_90 : vector<16xi32>
          %swap3A_92 = arith.index_cast %scan3A_38 : i32 to index
          %swap3A_93 = arith.constant 64 : index
          %swap3A_94 = tpu.vector_load %arg6[%swap3A_92, %swap3A_93] {strides = array<i32>} : memref<40x128xi32, #tpu.memory_space<vmem>>, vector<1x16xi32>,
          %swap3A_95 = vector.shape_cast %swap3A_94 : vector<1x16xi32> to vector<16xi32>
          %swap3A_96 = vector.shape_cast %add3A_91 : vector<16xi32> to vector<1x16xi32>
          tpu.vector_store %arg6[%swap3A_92, %swap3A_93], %swap3A_96 {strides = array<i32>} : memref<40x128xi32, #tpu.memory_space<vmem>>, vector<1x16xi32>,
          %get3A_97 = arith.index_cast %scan3A_38 : i32 to index
          %get3A_98 = arith.constant 80 : index
          %get3A_99 = tpu.vector_load %arg6[%get3A_97, %get3A_98] {strides = array<i32>} : memref<40x128xi32, #tpu.memory_space<vmem>>, vector<1x16xi32>,
          %get3A_100 = vector.shape_cast %get3A_99 : vector<1x16xi32> to vector<16xi32>
          %add3A_101 = arith.constant 10240 : i32
          %add3A_102 = vector.broadcast %add3A_101 : i32 to vector<16xi32>
          %add3A_103 = arith.addi %get3A_100, %add3A_102 : vector<16xi32>
          %swap3A_104 = arith.index_cast %scan3A_38 : i32 to index
          %swap3A_105 = arith.constant 80 : index
          %swap3A_106 = tpu.vector_load %arg6[%swap3A_104, %swap3A_105] {strides = array<i32>} : memref<40x128xi32, #tpu.memory_space<vmem>>, vector<1x16xi32>,
          %swap3A_107 = vector.shape_cast %swap3A_106 : vector<1x16xi32> to vector<16xi32>
          %swap3A_108 = vector.shape_cast %add3A_103 : vector<16xi32> to vector<1x16xi32>
          tpu.vector_store %arg6[%swap3A_104, %swap3A_105], %swap3A_108 {strides = array<i32>} : memref<40x128xi32, #tpu.memory_space<vmem>>, vector<1x16xi32>,
          %get3A_109 = arith.index_cast %scan3A_38 : i32 to index
          %get3A_110 = arith.constant 96 : index
          %get3A_111 = tpu.vector_load %arg6[%get3A_109, %get3A_110] {strides = array<i32>} : memref<40x128xi32, #tpu.memory_space<vmem>>, vector<1x16xi32>,
          %get3A_112 = vector.shape_cast %get3A_111 : vector<1x16xi32> to vector<16xi32>
          %add3A_113 = arith.constant 10240 : i32
          %add3A_114 = vector.broadcast %add3A_113 : i32 to vector<16xi32>
          %add3A_115 = arith.addi %get3A_112, %add3A_114 : vector<16xi32>
          %swap3A_116 = arith.index_cast %scan3A_38 : i32 to index
          %swap3A_117 = arith.constant 96 : index
          %swap3A_118 = tpu.vector_load %arg6[%swap3A_116, %swap3A_117] {strides = array<i32>} : memref<40x128xi32, #tpu.memory_space<vmem>>, vector<1x16xi32>,
          %swap3A_119 = vector.shape_cast %swap3A_118 : vector<1x16xi32> to vector<16xi32>
          %swap3A_120 = vector.shape_cast %add3A_115 : vector<16xi32> to vector<1x16xi32>
          tpu.vector_store %arg6[%swap3A_116, %swap3A_117], %swap3A_120 {strides = array<i32>} : memref<40x128xi32, #tpu.memory_space<vmem>>, vector<1x16xi32>,
          %get3A_121 = arith.index_cast %scan3A_38 : i32 to index
          %get3A_122 = arith.constant 112 : index
          %get3A_123 = tpu.vector_load %arg6[%get3A_121, %get3A_122] {strides = array<i32>} : memref<40x128xi32, #tpu.memory_space<vmem>>, vector<1x16xi32>,
          %get3A_124 = vector.shape_cast %get3A_123 : vector<1x16xi32> to vector<16xi32>
          %add3A_125 = arith.constant 10240 : i32
          %add3A_126 = vector.broadcast %add3A_125 : i32 to vector<16xi32>
          %add3A_127 = arith.addi %get3A_124, %add3A_126 : vector<16xi32>
          %swap3A_128 = arith.index_cast %scan3A_38 : i32 to index
          %swap3A_129 = arith.constant 112 : index
          %swap3A_130 = tpu.vector_load %arg6[%swap3A_128, %swap3A_129] {strides = array<i32>} : memref<40x128xi32, #tpu.memory_space<vmem>>, vector<1x16xi32>,
          %swap3A_131 = vector.shape_cast %swap3A_130 : vector<1x16xi32> to vector<16xi32>
          %swap3A_132 = vector.shape_cast %add3A_127 : vector<16xi32> to vector<1x16xi32>
          tpu.vector_store %arg6[%swap3A_128, %swap3A_129], %swap3A_132 {strides = array<i32>} : memref<40x128xi32, #tpu.memory_space<vmem>>, vector<1x16xi32>,
        }
        %scan3A_37 = arith.constant 40 : i32
      } else {
      }
      %dma_start3A = arith.constant 0 : i32
      %dma_start3A_20 = arith.constant 0 : i32
      %dma_start3A_21 = tpu.memref_slice %arg6[%dma_start3A, %dma_start3A_20] : memref<40x128xi32, #tpu.memory_space<vmem>> -> memref<1x128xi32, #tpu.memory_space<vmem>>
      %dma_start3A_22 = tpu.memref_squeeze %dma_start3A_21 : memref<1x128xi32, #tpu.memory_space<vmem>> -> memref<128xi32, #tpu.memory_space<vmem>>
      %dma_start3A_23 = arith.constant 0 : i32
      %dma_start3A_24 = arith.constant 0 : i32
      %dma_start3A_25 = tpu.memref_slice %arg2[%dma_start3A_23, %dma_start3A_24] : memref<20480x128xf32, #tpu.memory_space<hbm>> -> memref<20480x128xf32, #tpu.memory_space<hbm>>
      tpu.enqueue_indirect_dma source(%dma_start3A_25 : memref<20480x128xf32, #tpu.memory_space<hbm>>) target(%arg8 : memref<128x128xf32, #tpu.memory_space<vmem>>) offsets(%dma_start3A_22 : memref<128xi32, #tpu.memory_space<vmem>>) semaphore(%arg11 : memref<!tpu.dma_semaphore, #tpu.memory_space<semaphore_mem>>)
      %scan3A_26 = arith.constant 0 : i32
      %scan3A_27 = arith.constant 0 : i32
      %scan3A_28 = arith.constant 20 : i32
      %scan3A_29 = arith.addi %scan3A_27, %scan3A_28 : i32
      %scan3A_30 = arith.constant 1 : i32
      scf.for %scan3A_32 = %scan3A_27 to %scan3A_29 step %scan3A_30  : i32 {
        %mul3A_33 = arith.constant 2 : i32
        %mul3A_34 = arith.muli %mul3A_33, %scan3A_32 : i32
        %add3A_35 = arith.constant 1 : i32
        %add3A_36 = arith.addi %mul3A_34, %add3A_35 : i32
        %dma_start3A_37 = arith.constant 0 : i32
        %dma_start3A_38 = tpu.memref_slice %arg6[%add3A_36, %dma_start3A_37] : memref<40x128xi32, #tpu.memory_space<vmem>> -> memref<1x128xi32, #tpu.memory_space<vmem>>
        %dma_start3A_39 = tpu.memref_squeeze %dma_start3A_38 : memref<1x128xi32, #tpu.memory_space<vmem>> -> memref<128xi32, #tpu.memory_space<vmem>>
        %dma_start3A_40 = arith.constant 0 : i32
        %dma_start3A_41 = arith.constant 0 : i32
        %dma_start3A_42 = tpu.memref_slice %arg2[%dma_start3A_40, %dma_start3A_41] : memref<20480x128xf32, #tpu.memory_space<hbm>> -> memref<20480x128xf32, #tpu.memory_space<hbm>>
        tpu.enqueue_indirect_dma source(%dma_start3A_42 : memref<20480x128xf32, #tpu.memory_space<hbm>>) target(%arg9 : memref<128x128xf32, #tpu.memory_space<vmem>>) offsets(%dma_start3A_39 : memref<128xi32, #tpu.memory_space<vmem>>) semaphore(%arg12 : memref<!tpu.dma_semaphore, #tpu.memory_space<semaphore_mem>>)
        %dma_wait3A = arith.constant 0 : i32
        %dma_wait3A_43 = tpu.memref_slice %arg6[%mul3A_34, %dma_wait3A] : memref<40x128xi32, #tpu.memory_space<vmem>> -> memref<1x128xi32, #tpu.memory_space<vmem>>
        %dma_wait3A_44 = tpu.memref_squeeze %dma_wait3A_43 : memref<1x128xi32, #tpu.memory_space<vmem>> -> memref<128xi32, #tpu.memory_space<vmem>>
        %dma_wait3A_45 = arith.constant 0 : i32
        %dma_wait3A_46 = arith.constant 0 : i32
        %dma_wait3A_47 = tpu.memref_slice %arg2[%dma_wait3A_45, %dma_wait3A_46] : memref<20480x128xf32, #tpu.memory_space<hbm>> -> memref<20480x128xf32, #tpu.memory_space<hbm>>
        tpu.wait_indirect_dma semaphore(%arg11 : memref<!tpu.dma_semaphore, #tpu.memory_space<semaphore_mem>>) src(%dma_wait3A_47 : memref<20480x128xf32, #tpu.memory_space<hbm>>) dst(%arg8 : memref<128x128xf32, #tpu.memory_space<vmem>>)
        "tpu.region"() ({
          %run_scoped3A = tpu.sem_alloc : memref<!tpu.dma_semaphore, #tpu.memory_space<semaphore_mem>>
          %dma_start3A_58 = arith.constant 0 : i32
          %dma_start3A_59 = tpu.memref_slice %arg7[%mul3A_34, %dma_start3A_58] : memref<40x128xi32, #tpu.memory_space<vmem>> -> memref<1x128xi32, #tpu.memory_space<vmem>>
          %dma_start3A_60 = tpu.memref_squeeze %dma_start3A_59 : memref<1x128xi32, #tpu.memory_space<vmem>> -> memref<128xi32, #tpu.memory_space<vmem>>
          %dma_start3A_61 = arith.constant 0 : i32
          %dma_start3A_62 = arith.constant 0 : i32
          %dma_start3A_63 = tpu.memref_slice %arg10[%dma_start3A_61, %dma_start3A_62] : memref<10240x128xf32, #tpu.memory_space<vmem_shared>> -> memref<10240x128xf32, #tpu.memory_space<vmem_shared>>
          tpu.enqueue_indirect_dma source(%arg8 : memref<128x128xf32, #tpu.memory_space<vmem>>) target(%dma_start3A_63 : memref<10240x128xf32, #tpu.memory_space<vmem_shared>>) offsets(%dma_start3A_60 : memref<128xi32, #tpu.memory_space<vmem>>) semaphore(%run_scoped3A : memref<!tpu.dma_semaphore, #tpu.memory_space<semaphore_mem>>) {add = true}
          %dma_wait3A_64 = arith.constant 0 : i32
          %dma_wait3A_65 = tpu.memref_slice %arg7[%mul3A_34, %dma_wait3A_64] : memref<40x128xi32, #tpu.memory_space<vmem>> -> memref<1x128xi32, #tpu.memory_space<vmem>>
          %dma_wait3A_66 = tpu.memref_squeeze %dma_wait3A_65 : memref<1x128xi32, #tpu.memory_space<vmem>> -> memref<128xi32, #tpu.memory_space<vmem>>
          %dma_wait3A_67 = arith.constant 0 : i32
          %dma_wait3A_68 = arith.constant 0 : i32
          %dma_wait3A_69 = tpu.memref_slice %arg10[%dma_wait3A_67, %dma_wait3A_68] : memref<10240x128xf32, #tpu.memory_space<vmem_shared>> -> memref<10240x128xf32, #tpu.memory_space<vmem_shared>>
          tpu.wait_indirect_dma semaphore(%run_scoped3A : memref<!tpu.dma_semaphore, #tpu.memory_space<semaphore_mem>>) src(%arg8 : memref<128x128xf32, #tpu.memory_space<vmem>>) dst(%dma_wait3A_69 : memref<10240x128xf32, #tpu.memory_space<vmem_shared>>)
          tpu.yield
        }) : () -> ()
        %lt3A = arith.constant 19 : i32
        %lt3A_48 = arith.cmpi slt, %scan3A_32, %lt3A : i32
        %convert_element_type3A_49 = arith.extui %lt3A_48 : i1 to i32
        %cond3A_50 = arith.constant 0 : i32
        %cond3A_51 = arith.cmpi ne, %convert_element_type3A_49, %cond3A_50 : i32
        scf.if %cond3A_51 {
          %add3A_58 = arith.constant 2 : i32
          %add3A_59 = arith.addi %mul3A_34, %add3A_58 : i32
          %dma_start3A_60 = arith.constant 0 : i32
          %dma_start3A_61 = tpu.memref_slice %arg6[%add3A_59, %dma_start3A_60] : memref<40x128xi32, #tpu.memory_space<vmem>> -> memref<1x128xi32, #tpu.memory_space<vmem>>
          %dma_start3A_62 = tpu.memref_squeeze %dma_start3A_61 : memref<1x128xi32, #tpu.memory_space<vmem>> -> memref<128xi32, #tpu.memory_space<vmem>>
          %dma_start3A_63 = arith.constant 0 : i32
          %dma_start3A_64 = arith.constant 0 : i32
          %dma_start3A_65 = tpu.memref_slice %arg2[%dma_start3A_63, %dma_start3A_64] : memref<20480x128xf32, #tpu.memory_space<hbm>> -> memref<20480x128xf32, #tpu.memory_space<hbm>>
          tpu.enqueue_indirect_dma source(%dma_start3A_65 : memref<20480x128xf32, #tpu.memory_space<hbm>>) target(%arg8 : memref<128x128xf32, #tpu.memory_space<vmem>>) offsets(%dma_start3A_62 : memref<128xi32, #tpu.memory_space<vmem>>) semaphore(%arg11 : memref<!tpu.dma_semaphore, #tpu.memory_space<semaphore_mem>>)
        } else {
        }
        %dma_wait3A_52 = arith.constant 0 : i32
        %dma_wait3A_53 = tpu.memref_slice %arg6[%add3A_36, %dma_wait3A_52] : memref<40x128xi32, #tpu.memory_space<vmem>> -> memref<1x128xi32, #tpu.memory_space<vmem>>
        %dma_wait3A_54 = tpu.memref_squeeze %dma_wait3A_53 : memref<1x128xi32, #tpu.memory_space<vmem>> -> memref<128xi32, #tpu.memory_space<vmem>>
        %dma_wait3A_55 = arith.constant 0 : i32
        %dma_wait3A_56 = arith.constant 0 : i32
        %dma_wait3A_57 = tpu.memref_slice %arg2[%dma_wait3A_55, %dma_wait3A_56] : memref<20480x128xf32, #tpu.memory_space<hbm>> -> memref<20480x128xf32, #tpu.memory_space<hbm>>
        tpu.wait_indirect_dma semaphore(%arg12 : memref<!tpu.dma_semaphore, #tpu.memory_space<semaphore_mem>>) src(%dma_wait3A_57 : memref<20480x128xf32, #tpu.memory_space<hbm>>) dst(%arg9 : memref<128x128xf32, #tpu.memory_space<vmem>>)
        "tpu.region"() ({
          %run_scoped3A = tpu.sem_alloc : memref<!tpu.dma_semaphore, #tpu.memory_space<semaphore_mem>>
          %dma_start3A_58 = arith.constant 0 : i32
          %dma_start3A_59 = tpu.memref_slice %arg7[%add3A_36, %dma_start3A_58] : memref<40x128xi32, #tpu.memory_space<vmem>> -> memref<1x128xi32, #tpu.memory_space<vmem>>
          %dma_start3A_60 = tpu.memref_squeeze %dma_start3A_59 : memref<1x128xi32, #tpu.memory_space<vmem>> -> memref<128xi32, #tpu.memory_space<vmem>>
          %dma_start3A_61 = arith.constant 0 : i32
          %dma_start3A_62 = arith.constant 0 : i32
          %dma_start3A_63 = tpu.memref_slice %arg10[%dma_start3A_61, %dma_start3A_62] : memref<10240x128xf32, #tpu.memory_space<vmem_shared>> -> memref<10240x128xf32, #tpu.memory_space<vmem_shared>>
          tpu.enqueue_indirect_dma source(%arg9 : memref<128x128xf32, #tpu.memory_space<vmem>>) target(%dma_start3A_63 : memref<10240x128xf32, #tpu.memory_space<vmem_shared>>) offsets(%dma_start3A_60 : memref<128xi32, #tpu.memory_space<vmem>>) semaphore(%run_scoped3A : memref<!tpu.dma_semaphore, #tpu.memory_space<semaphore_mem>>) {add = true}
          %dma_wait3A_64 = arith.constant 0 : i32
          %dma_wait3A_65 = tpu.memref_slice %arg7[%add3A_36, %dma_wait3A_64] : memref<40x128xi32, #tpu.memory_space<vmem>> -> memref<1x128xi32, #tpu.memory_space<vmem>>
          %dma_wait3A_66 = tpu.memref_squeeze %dma_wait3A_65 : memref<1x128xi32, #tpu.memory_space<vmem>> -> memref<128xi32, #tpu.memory_space<vmem>>
          %dma_wait3A_67 = arith.constant 0 : i32
          %dma_wait3A_68 = arith.constant 0 : i32
          %dma_wait3A_69 = tpu.memref_slice %arg10[%dma_wait3A_67, %dma_wait3A_68] : memref<10240x128xf32, #tpu.memory_space<vmem_shared>> -> memref<10240x128xf32, #tpu.memory_space<vmem_shared>>
          tpu.wait_indirect_dma semaphore(%run_scoped3A : memref<!tpu.dma_semaphore, #tpu.memory_space<semaphore_mem>>) src(%arg9 : memref<128x128xf32, #tpu.memory_space<vmem>>) dst(%dma_wait3A_69 : memref<10240x128xf32, #tpu.memory_space<vmem_shared>>)
          tpu.yield
        }) : () -> ()
      }
      %scan3A_31 = arith.constant 20 : i32
    }
    %scan3A_9 = arith.constant 4 : i32
    %barrier3A_10 = arith.constant 0 : index
    tpu.barrier barrier_id(%barrier3A_10)
    %mul3A_11 = arith.constant 640 : i32
    %mul3A_12 = arith.muli %arg1, %mul3A_11 : i32
    "tpu.region"() ({
      %run_scoped3A = tpu.sem_alloc : memref<!tpu.dma_semaphore, #tpu.memory_space<semaphore_mem>>
      %dma_start3A = arith.constant 0 : i32
      %dma_start3A_13 = tpu.memref_slice %arg5[%add3A, %dma_start3A] : memref<20480x128xf32, #tpu.memory_space<hbm>> -> memref<640x128xf32, #tpu.memory_space<hbm>>
      %dma_start3A_14 = arith.constant 0 : i32
      %dma_start3A_15 = tpu.memref_slice %arg10[%mul3A_12, %dma_start3A_14] : memref<10240x128xf32, #tpu.memory_space<vmem_shared>> -> memref<640x128xf32, #tpu.memory_space<vmem_shared>>
      tpu.enqueue_dma source(%dma_start3A_15 : memref<640x128xf32, #tpu.memory_space<vmem_shared>>) target(%dma_start3A_13 : memref<640x128xf32, #tpu.memory_space<hbm>>) target_semaphore(%run_scoped3A : memref<!tpu.dma_semaphore, #tpu.memory_space<semaphore_mem>>)
      %dma_wait3A = arith.constant 0 : i32
      %dma_wait3A_16 = tpu.memref_slice %arg5[%add3A, %dma_wait3A] : memref<20480x128xf32, #tpu.memory_space<hbm>> -> memref<640x128xf32, #tpu.memory_space<hbm>>
      %dma_wait3A_17 = arith.constant 0 : i32
      %dma_wait3A_18 = tpu.memref_slice %arg10[%mul3A_12, %dma_wait3A_17] : memref<10240x128xf32, #tpu.memory_space<vmem_shared>> -> memref<640x128xf32, #tpu.memory_space<vmem_shared>>
      tpu.wait_dma2 semaphore(%run_scoped3A : memref<!tpu.dma_semaphore, #tpu.memory_space<semaphore_mem>>) src(%dma_wait3A_18 : memref<640x128xf32, #tpu.memory_space<vmem_shared>>) dst(%dma_wait3A_16 : memref<640x128xf32, #tpu.memory_space<hbm>>)
      tpu.yield
    }) : () -> ()
    return
  }
}

#map = affine_map<(d0, d1) -> (0, 0)>
#map1 = affine_map<(d0, d1) -> (0, 0, 0)>
module attributes {stable_mosaic.version = 14 : i64} {
  func.func @_sc_edge(%arg0: i32, %arg1: i32, %arg2: memref<20480x128xf32, #tpu.memory_space<hbm>>, %arg3: memref<16x160x128xi32, #tpu.memory_space<hbm>>, %arg4: memref<16x160x128xi32, #tpu.memory_space<hbm>>, %arg5: memref<20480x128xf32, #tpu.memory_space<hbm>>, %arg6: memref<40x128xi32, #tpu.memory_space<vmem>>, %arg7: memref<40x128xi32, #tpu.memory_space<vmem>>, %arg8: memref<128x128xf32, #tpu.memory_space<vmem>>, %arg9: memref<128x128xf32, #tpu.memory_space<vmem>>, %arg10: memref<10240x128xf32, #tpu.memory_space<vmem_shared>>, %arg11: memref<!tpu.dma_semaphore, #tpu.memory_space<semaphore_mem>>, %arg12: memref<!tpu.dma_semaphore, #tpu.memory_space<semaphore_mem>>) attributes {dimension_semantics = [#tpu.dimension_semantics<core_parallel>, #tpu.dimension_semantics<subcore_parallel>], iteration_bounds = array<i64: 2, 16>, scalar_prefetch = 0 : i64, scratch_operands = 7 : i64, tpu.core_type = #tpu.core_type<sc_vector_subcore>, window_params = [{transform_indices = #map}, {transform_indices = #map1}, {transform_indices = #map1}, {transform_indices = #map}]} {
    %mul3A = arith.constant 10240 : i32
    %mul3A_0 = arith.muli %arg0, %mul3A : i32
    %mul3A_1 = arith.constant 640 : i32
    %mul3A_2 = arith.muli %arg1, %mul3A_1 : i32
    %add3A = arith.addi %mul3A_0, %mul3A_2 : i32
    %mul3A_3 = arith.constant 640 : i32
    %mul3A_4 = arith.muli %arg1, %mul3A_3 : i32
    "tpu.region"() ({
      %run_scoped3A = tpu.sem_alloc : memref<!tpu.dma_semaphore, #tpu.memory_space<semaphore_mem>>
      %dma_start3A = arith.constant 0 : i32
      %dma_start3A_13 = tpu.memref_slice %arg10[%mul3A_4, %dma_start3A] : memref<10240x128xf32, #tpu.memory_space<vmem_shared>> -> memref<640x128xf32, #tpu.memory_space<vmem_shared>>
      %dma_start3A_14 = arith.constant 0 : i32
      %dma_start3A_15 = tpu.memref_slice %arg2[%add3A, %dma_start3A_14] : memref<20480x128xf32, #tpu.memory_space<hbm>> -> memref<640x128xf32, #tpu.memory_space<hbm>>
      tpu.enqueue_dma source(%dma_start3A_15 : memref<640x128xf32, #tpu.memory_space<hbm>>) target(%dma_start3A_13 : memref<640x128xf32, #tpu.memory_space<vmem_shared>>) target_semaphore(%run_scoped3A : memref<!tpu.dma_semaphore, #tpu.memory_space<semaphore_mem>>)
      %dma_wait3A = arith.constant 0 : i32
      %dma_wait3A_16 = tpu.memref_slice %arg10[%mul3A_4, %dma_wait3A] : memref<10240x128xf32, #tpu.memory_space<vmem_shared>> -> memref<640x128xf32, #tpu.memory_space<vmem_shared>>
      %dma_wait3A_17 = arith.constant 0 : i32
      %dma_wait3A_18 = tpu.memref_slice %arg2[%add3A, %dma_wait3A_17] : memref<20480x128xf32, #tpu.memory_space<hbm>> -> memref<640x128xf32, #tpu.memory_space<hbm>>
      tpu.wait_dma2 semaphore(%run_scoped3A : memref<!tpu.dma_semaphore, #tpu.memory_space<semaphore_mem>>) src(%dma_wait3A_18 : memref<640x128xf32, #tpu.memory_space<hbm>>) dst(%dma_wait3A_16 : memref<640x128xf32, #tpu.memory_space<vmem_shared>>)
      tpu.yield
    }) : () -> ()
    %barrier3A = arith.constant 0 : index
    tpu.barrier barrier_id(%barrier3A)
    %scan3A = arith.constant 0 : i32
    %scan3A_5 = arith.constant 0 : i32
    %scan3A_6 = arith.constant 4 : i32
    %scan3A_7 = arith.addi %scan3A_5, %scan3A_6 : i32
    %scan3A_8 = arith.constant 1 : i32
    scf.for %scan3A_13 = %scan3A_5 to %scan3A_7 step %scan3A_8  : i32 {
      %mul3A_14 = arith.constant 40 : i32
      %mul3A_15 = arith.muli %scan3A_13, %mul3A_14 : i32
      "tpu.region"() ({
        %run_scoped3A = tpu.sem_alloc : memref<!tpu.dma_semaphore, #tpu.memory_space<semaphore_mem>>
        %dma_start3A_32 = arith.constant 0 : i32
        %dma_start3A_33 = tpu.memref_slice %arg3[%arg1, %mul3A_15, %dma_start3A_32] : memref<16x160x128xi32, #tpu.memory_space<hbm>> -> memref<1x40x128xi32, #tpu.memory_space<hbm>>
        %dma_start3A_34 = tpu.memref_squeeze %dma_start3A_33 : memref<1x40x128xi32, #tpu.memory_space<hbm>> -> memref<40x128xi32, #tpu.memory_space<hbm>>
        %dma_start3A_35 = arith.constant 0 : i32
        %dma_start3A_36 = tpu.memref_slice %arg3[%arg1, %mul3A_15, %dma_start3A_35] : memref<16x160x128xi32, #tpu.memory_space<hbm>> -> memref<1x40x128xi32, #tpu.memory_space<hbm>>
        %dma_start3A_37 = tpu.memref_squeeze %dma_start3A_36 : memref<1x40x128xi32, #tpu.memory_space<hbm>> -> memref<40x128xi32, #tpu.memory_space<hbm>>
        tpu.enqueue_dma source(%dma_start3A_37 : memref<40x128xi32, #tpu.memory_space<hbm>>) target(%arg6 : memref<40x128xi32, #tpu.memory_space<vmem>>) target_semaphore(%run_scoped3A : memref<!tpu.dma_semaphore, #tpu.memory_space<semaphore_mem>>)
        %dma_wait3A = arith.constant 0 : i32
        %dma_wait3A_38 = tpu.memref_slice %arg3[%arg1, %mul3A_15, %dma_wait3A] : memref<16x160x128xi32, #tpu.memory_space<hbm>> -> memref<1x40x128xi32, #tpu.memory_space<hbm>>
        %dma_wait3A_39 = tpu.memref_squeeze %dma_wait3A_38 : memref<1x40x128xi32, #tpu.memory_space<hbm>> -> memref<40x128xi32, #tpu.memory_space<hbm>>
        %dma_wait3A_40 = arith.constant 0 : i32
        %dma_wait3A_41 = tpu.memref_slice %arg3[%arg1, %mul3A_15, %dma_wait3A_40] : memref<16x160x128xi32, #tpu.memory_space<hbm>> -> memref<1x40x128xi32, #tpu.memory_space<hbm>>
        %dma_wait3A_42 = tpu.memref_squeeze %dma_wait3A_41 : memref<1x40x128xi32, #tpu.memory_space<hbm>> -> memref<40x128xi32, #tpu.memory_space<hbm>>
        tpu.wait_dma2 semaphore(%run_scoped3A : memref<!tpu.dma_semaphore, #tpu.memory_space<semaphore_mem>>) src(%dma_wait3A_42 : memref<40x128xi32, #tpu.memory_space<hbm>>) dst(%arg6 : memref<40x128xi32, #tpu.memory_space<vmem>>)
        tpu.yield
      }) : () -> ()
      %mul3A_16 = arith.constant 40 : i32
      %mul3A_17 = arith.muli %scan3A_13, %mul3A_16 : i32
      "tpu.region"() ({
        %run_scoped3A = tpu.sem_alloc : memref<!tpu.dma_semaphore, #tpu.memory_space<semaphore_mem>>
        %dma_start3A_32 = arith.constant 0 : i32
        %dma_start3A_33 = tpu.memref_slice %arg4[%arg1, %mul3A_17, %dma_start3A_32] : memref<16x160x128xi32, #tpu.memory_space<hbm>> -> memref<1x40x128xi32, #tpu.memory_space<hbm>>
        %dma_start3A_34 = tpu.memref_squeeze %dma_start3A_33 : memref<1x40x128xi32, #tpu.memory_space<hbm>> -> memref<40x128xi32, #tpu.memory_space<hbm>>
        %dma_start3A_35 = arith.constant 0 : i32
        %dma_start3A_36 = tpu.memref_slice %arg4[%arg1, %mul3A_17, %dma_start3A_35] : memref<16x160x128xi32, #tpu.memory_space<hbm>> -> memref<1x40x128xi32, #tpu.memory_space<hbm>>
        %dma_start3A_37 = tpu.memref_squeeze %dma_start3A_36 : memref<1x40x128xi32, #tpu.memory_space<hbm>> -> memref<40x128xi32, #tpu.memory_space<hbm>>
        tpu.enqueue_dma source(%dma_start3A_37 : memref<40x128xi32, #tpu.memory_space<hbm>>) target(%arg7 : memref<40x128xi32, #tpu.memory_space<vmem>>) target_semaphore(%run_scoped3A : memref<!tpu.dma_semaphore, #tpu.memory_space<semaphore_mem>>)
        %dma_wait3A = arith.constant 0 : i32
        %dma_wait3A_38 = tpu.memref_slice %arg4[%arg1, %mul3A_17, %dma_wait3A] : memref<16x160x128xi32, #tpu.memory_space<hbm>> -> memref<1x40x128xi32, #tpu.memory_space<hbm>>
        %dma_wait3A_39 = tpu.memref_squeeze %dma_wait3A_38 : memref<1x40x128xi32, #tpu.memory_space<hbm>> -> memref<40x128xi32, #tpu.memory_space<hbm>>
        %dma_wait3A_40 = arith.constant 0 : i32
        %dma_wait3A_41 = tpu.memref_slice %arg4[%arg1, %mul3A_17, %dma_wait3A_40] : memref<16x160x128xi32, #tpu.memory_space<hbm>> -> memref<1x40x128xi32, #tpu.memory_space<hbm>>
        %dma_wait3A_42 = tpu.memref_squeeze %dma_wait3A_41 : memref<1x40x128xi32, #tpu.memory_space<hbm>> -> memref<40x128xi32, #tpu.memory_space<hbm>>
        tpu.wait_dma2 semaphore(%run_scoped3A : memref<!tpu.dma_semaphore, #tpu.memory_space<semaphore_mem>>) src(%dma_wait3A_42 : memref<40x128xi32, #tpu.memory_space<hbm>>) dst(%arg7 : memref<40x128xi32, #tpu.memory_space<vmem>>)
        tpu.yield
      }) : () -> ()
      %eq3A = arith.constant 1 : i32
      %eq3A_18 = arith.cmpi eq, %arg0, %eq3A : i32
      %convert_element_type3A = arith.extui %eq3A_18 : i1 to i32
      %cond3A = arith.constant 0 : i32
      %cond3A_19 = arith.cmpi ne, %convert_element_type3A, %cond3A : i32
      scf.if %cond3A_19 {
        %scan3A_32 = arith.constant 0 : i32
        %scan3A_33 = arith.constant 0 : i32
        %scan3A_34 = arith.constant 40 : i32
        %scan3A_35 = arith.addi %scan3A_33, %scan3A_34 : i32
        %scan3A_36 = arith.constant 1 : i32
        scf.for %scan3A_38 = %scan3A_33 to %scan3A_35 step %scan3A_36  : i32 {
          %get3A = arith.index_cast %scan3A_38 : i32 to index
          %get3A_39 = arith.constant 0 : index
          %get3A_40 = tpu.vector_load %arg6[%get3A, %get3A_39] {strides = array<i32>} : memref<40x128xi32, #tpu.memory_space<vmem>>, vector<1x16xi32>,
          %get3A_41 = vector.shape_cast %get3A_40 : vector<1x16xi32> to vector<16xi32>
          %add3A_42 = arith.constant 10240 : i32
          %add3A_43 = vector.broadcast %add3A_42 : i32 to vector<16xi32>
          %add3A_44 = arith.addi %get3A_41, %add3A_43 : vector<16xi32>
          %swap3A = arith.index_cast %scan3A_38 : i32 to index
          %swap3A_45 = arith.constant 0 : index
          %swap3A_46 = tpu.vector_load %arg6[%swap3A, %swap3A_45] {strides = array<i32>} : memref<40x128xi32, #tpu.memory_space<vmem>>, vector<1x16xi32>,
          %swap3A_47 = vector.shape_cast %swap3A_46 : vector<1x16xi32> to vector<16xi32>
          %swap3A_48 = vector.shape_cast %add3A_44 : vector<16xi32> to vector<1x16xi32>
          tpu.vector_store %arg6[%swap3A, %swap3A_45], %swap3A_48 {strides = array<i32>} : memref<40x128xi32, #tpu.memory_space<vmem>>, vector<1x16xi32>,
          %get3A_49 = arith.index_cast %scan3A_38 : i32 to index
          %get3A_50 = arith.constant 16 : index
          %get3A_51 = tpu.vector_load %arg6[%get3A_49, %get3A_50] {strides = array<i32>} : memref<40x128xi32, #tpu.memory_space<vmem>>, vector<1x16xi32>,
          %get3A_52 = vector.shape_cast %get3A_51 : vector<1x16xi32> to vector<16xi32>
          %add3A_53 = arith.constant 10240 : i32
          %add3A_54 = vector.broadcast %add3A_53 : i32 to vector<16xi32>
          %add3A_55 = arith.addi %get3A_52, %add3A_54 : vector<16xi32>
          %swap3A_56 = arith.index_cast %scan3A_38 : i32 to index
          %swap3A_57 = arith.constant 16 : index
          %swap3A_58 = tpu.vector_load %arg6[%swap3A_56, %swap3A_57] {strides = array<i32>} : memref<40x128xi32, #tpu.memory_space<vmem>>, vector<1x16xi32>,
          %swap3A_59 = vector.shape_cast %swap3A_58 : vector<1x16xi32> to vector<16xi32>
          %swap3A_60 = vector.shape_cast %add3A_55 : vector<16xi32> to vector<1x16xi32>
          tpu.vector_store %arg6[%swap3A_56, %swap3A_57], %swap3A_60 {strides = array<i32>} : memref<40x128xi32, #tpu.memory_space<vmem>>, vector<1x16xi32>,
          %get3A_61 = arith.index_cast %scan3A_38 : i32 to index
          %get3A_62 = arith.constant 32 : index
          %get3A_63 = tpu.vector_load %arg6[%get3A_61, %get3A_62] {strides = array<i32>} : memref<40x128xi32, #tpu.memory_space<vmem>>, vector<1x16xi32>,
          %get3A_64 = vector.shape_cast %get3A_63 : vector<1x16xi32> to vector<16xi32>
          %add3A_65 = arith.constant 10240 : i32
          %add3A_66 = vector.broadcast %add3A_65 : i32 to vector<16xi32>
          %add3A_67 = arith.addi %get3A_64, %add3A_66 : vector<16xi32>
          %swap3A_68 = arith.index_cast %scan3A_38 : i32 to index
          %swap3A_69 = arith.constant 32 : index
          %swap3A_70 = tpu.vector_load %arg6[%swap3A_68, %swap3A_69] {strides = array<i32>} : memref<40x128xi32, #tpu.memory_space<vmem>>, vector<1x16xi32>,
          %swap3A_71 = vector.shape_cast %swap3A_70 : vector<1x16xi32> to vector<16xi32>
          %swap3A_72 = vector.shape_cast %add3A_67 : vector<16xi32> to vector<1x16xi32>
          tpu.vector_store %arg6[%swap3A_68, %swap3A_69], %swap3A_72 {strides = array<i32>} : memref<40x128xi32, #tpu.memory_space<vmem>>, vector<1x16xi32>,
          %get3A_73 = arith.index_cast %scan3A_38 : i32 to index
          %get3A_74 = arith.constant 48 : index
          %get3A_75 = tpu.vector_load %arg6[%get3A_73, %get3A_74] {strides = array<i32>} : memref<40x128xi32, #tpu.memory_space<vmem>>, vector<1x16xi32>,
          %get3A_76 = vector.shape_cast %get3A_75 : vector<1x16xi32> to vector<16xi32>
          %add3A_77 = arith.constant 10240 : i32
          %add3A_78 = vector.broadcast %add3A_77 : i32 to vector<16xi32>
          %add3A_79 = arith.addi %get3A_76, %add3A_78 : vector<16xi32>
          %swap3A_80 = arith.index_cast %scan3A_38 : i32 to index
          %swap3A_81 = arith.constant 48 : index
          %swap3A_82 = tpu.vector_load %arg6[%swap3A_80, %swap3A_81] {strides = array<i32>} : memref<40x128xi32, #tpu.memory_space<vmem>>, vector<1x16xi32>,
          %swap3A_83 = vector.shape_cast %swap3A_82 : vector<1x16xi32> to vector<16xi32>
          %swap3A_84 = vector.shape_cast %add3A_79 : vector<16xi32> to vector<1x16xi32>
          tpu.vector_store %arg6[%swap3A_80, %swap3A_81], %swap3A_84 {strides = array<i32>} : memref<40x128xi32, #tpu.memory_space<vmem>>, vector<1x16xi32>,
          %get3A_85 = arith.index_cast %scan3A_38 : i32 to index
          %get3A_86 = arith.constant 64 : index
          %get3A_87 = tpu.vector_load %arg6[%get3A_85, %get3A_86] {strides = array<i32>} : memref<40x128xi32, #tpu.memory_space<vmem>>, vector<1x16xi32>,
          %get3A_88 = vector.shape_cast %get3A_87 : vector<1x16xi32> to vector<16xi32>
          %add3A_89 = arith.constant 10240 : i32
          %add3A_90 = vector.broadcast %add3A_89 : i32 to vector<16xi32>
          %add3A_91 = arith.addi %get3A_88, %add3A_90 : vector<16xi32>
          %swap3A_92 = arith.index_cast %scan3A_38 : i32 to index
          %swap3A_93 = arith.constant 64 : index
          %swap3A_94 = tpu.vector_load %arg6[%swap3A_92, %swap3A_93] {strides = array<i32>} : memref<40x128xi32, #tpu.memory_space<vmem>>, vector<1x16xi32>,
          %swap3A_95 = vector.shape_cast %swap3A_94 : vector<1x16xi32> to vector<16xi32>
          %swap3A_96 = vector.shape_cast %add3A_91 : vector<16xi32> to vector<1x16xi32>
          tpu.vector_store %arg6[%swap3A_92, %swap3A_93], %swap3A_96 {strides = array<i32>} : memref<40x128xi32, #tpu.memory_space<vmem>>, vector<1x16xi32>,
          %get3A_97 = arith.index_cast %scan3A_38 : i32 to index
          %get3A_98 = arith.constant 80 : index
          %get3A_99 = tpu.vector_load %arg6[%get3A_97, %get3A_98] {strides = array<i32>} : memref<40x128xi32, #tpu.memory_space<vmem>>, vector<1x16xi32>,
          %get3A_100 = vector.shape_cast %get3A_99 : vector<1x16xi32> to vector<16xi32>
          %add3A_101 = arith.constant 10240 : i32
          %add3A_102 = vector.broadcast %add3A_101 : i32 to vector<16xi32>
          %add3A_103 = arith.addi %get3A_100, %add3A_102 : vector<16xi32>
          %swap3A_104 = arith.index_cast %scan3A_38 : i32 to index
          %swap3A_105 = arith.constant 80 : index
          %swap3A_106 = tpu.vector_load %arg6[%swap3A_104, %swap3A_105] {strides = array<i32>} : memref<40x128xi32, #tpu.memory_space<vmem>>, vector<1x16xi32>,
          %swap3A_107 = vector.shape_cast %swap3A_106 : vector<1x16xi32> to vector<16xi32>
          %swap3A_108 = vector.shape_cast %add3A_103 : vector<16xi32> to vector<1x16xi32>
          tpu.vector_store %arg6[%swap3A_104, %swap3A_105], %swap3A_108 {strides = array<i32>} : memref<40x128xi32, #tpu.memory_space<vmem>>, vector<1x16xi32>,
          %get3A_109 = arith.index_cast %scan3A_38 : i32 to index
          %get3A_110 = arith.constant 96 : index
          %get3A_111 = tpu.vector_load %arg6[%get3A_109, %get3A_110] {strides = array<i32>} : memref<40x128xi32, #tpu.memory_space<vmem>>, vector<1x16xi32>,
          %get3A_112 = vector.shape_cast %get3A_111 : vector<1x16xi32> to vector<16xi32>
          %add3A_113 = arith.constant 10240 : i32
          %add3A_114 = vector.broadcast %add3A_113 : i32 to vector<16xi32>
          %add3A_115 = arith.addi %get3A_112, %add3A_114 : vector<16xi32>
          %swap3A_116 = arith.index_cast %scan3A_38 : i32 to index
          %swap3A_117 = arith.constant 96 : index
          %swap3A_118 = tpu.vector_load %arg6[%swap3A_116, %swap3A_117] {strides = array<i32>} : memref<40x128xi32, #tpu.memory_space<vmem>>, vector<1x16xi32>,
          %swap3A_119 = vector.shape_cast %swap3A_118 : vector<1x16xi32> to vector<16xi32>
          %swap3A_120 = vector.shape_cast %add3A_115 : vector<16xi32> to vector<1x16xi32>
          tpu.vector_store %arg6[%swap3A_116, %swap3A_117], %swap3A_120 {strides = array<i32>} : memref<40x128xi32, #tpu.memory_space<vmem>>, vector<1x16xi32>,
          %get3A_121 = arith.index_cast %scan3A_38 : i32 to index
          %get3A_122 = arith.constant 112 : index
          %get3A_123 = tpu.vector_load %arg6[%get3A_121, %get3A_122] {strides = array<i32>} : memref<40x128xi32, #tpu.memory_space<vmem>>, vector<1x16xi32>,
          %get3A_124 = vector.shape_cast %get3A_123 : vector<1x16xi32> to vector<16xi32>
          %add3A_125 = arith.constant 10240 : i32
          %add3A_126 = vector.broadcast %add3A_125 : i32 to vector<16xi32>
          %add3A_127 = arith.addi %get3A_124, %add3A_126 : vector<16xi32>
          %swap3A_128 = arith.index_cast %scan3A_38 : i32 to index
          %swap3A_129 = arith.constant 112 : index
          %swap3A_130 = tpu.vector_load %arg6[%swap3A_128, %swap3A_129] {strides = array<i32>} : memref<40x128xi32, #tpu.memory_space<vmem>>, vector<1x16xi32>,
          %swap3A_131 = vector.shape_cast %swap3A_130 : vector<1x16xi32> to vector<16xi32>
          %swap3A_132 = vector.shape_cast %add3A_127 : vector<16xi32> to vector<1x16xi32>
          tpu.vector_store %arg6[%swap3A_128, %swap3A_129], %swap3A_132 {strides = array<i32>} : memref<40x128xi32, #tpu.memory_space<vmem>>, vector<1x16xi32>,
        }
        %scan3A_37 = arith.constant 40 : i32
      } else {
      }
      %dma_start3A = arith.constant 0 : i32
      %dma_start3A_20 = arith.constant 0 : i32
      %dma_start3A_21 = tpu.memref_slice %arg6[%dma_start3A, %dma_start3A_20] : memref<40x128xi32, #tpu.memory_space<vmem>> -> memref<1x128xi32, #tpu.memory_space<vmem>>
      %dma_start3A_22 = tpu.memref_squeeze %dma_start3A_21 : memref<1x128xi32, #tpu.memory_space<vmem>> -> memref<128xi32, #tpu.memory_space<vmem>>
      %dma_start3A_23 = arith.constant 0 : i32
      %dma_start3A_24 = arith.constant 0 : i32
      %dma_start3A_25 = tpu.memref_slice %arg2[%dma_start3A_23, %dma_start3A_24] : memref<20480x128xf32, #tpu.memory_space<hbm>> -> memref<20480x128xf32, #tpu.memory_space<hbm>>
      tpu.enqueue_indirect_dma source(%dma_start3A_25 : memref<20480x128xf32, #tpu.memory_space<hbm>>) target(%arg8 : memref<128x128xf32, #tpu.memory_space<vmem>>) offsets(%dma_start3A_22 : memref<128xi32, #tpu.memory_space<vmem>>) semaphore(%arg11 : memref<!tpu.dma_semaphore, #tpu.memory_space<semaphore_mem>>)
      %scan3A_26 = arith.constant 0 : i32
      %scan3A_27 = arith.constant 0 : i32
      %scan3A_28 = arith.constant 20 : i32
      %scan3A_29 = arith.addi %scan3A_27, %scan3A_28 : i32
      %scan3A_30 = arith.constant 1 : i32
      scf.for %scan3A_32 = %scan3A_27 to %scan3A_29 step %scan3A_30  : i32 {
        %mul3A_33 = arith.constant 2 : i32
        %mul3A_34 = arith.muli %mul3A_33, %scan3A_32 : i32
        %add3A_35 = arith.constant 1 : i32
        %add3A_36 = arith.addi %mul3A_34, %add3A_35 : i32
        %dma_start3A_37 = arith.constant 0 : i32
        %dma_start3A_38 = tpu.memref_slice %arg6[%add3A_36, %dma_start3A_37] : memref<40x128xi32, #tpu.memory_space<vmem>> -> memref<1x128xi32, #tpu.memory_space<vmem>>
        %dma_start3A_39 = tpu.memref_squeeze %dma_start3A_38 : memref<1x128xi32, #tpu.memory_space<vmem>> -> memref<128xi32, #tpu.memory_space<vmem>>
        %dma_start3A_40 = arith.constant 0 : i32
        %dma_start3A_41 = arith.constant 0 : i32
        %dma_start3A_42 = tpu.memref_slice %arg2[%dma_start3A_40, %dma_start3A_41] : memref<20480x128xf32, #tpu.memory_space<hbm>> -> memref<20480x128xf32, #tpu.memory_space<hbm>>
        tpu.enqueue_indirect_dma source(%dma_start3A_42 : memref<20480x128xf32, #tpu.memory_space<hbm>>) target(%arg9 : memref<128x128xf32, #tpu.memory_space<vmem>>) offsets(%dma_start3A_39 : memref<128xi32, #tpu.memory_space<vmem>>) semaphore(%arg12 : memref<!tpu.dma_semaphore, #tpu.memory_space<semaphore_mem>>)
        %dma_wait3A = arith.constant 0 : i32
        %dma_wait3A_43 = tpu.memref_slice %arg6[%mul3A_34, %dma_wait3A] : memref<40x128xi32, #tpu.memory_space<vmem>> -> memref<1x128xi32, #tpu.memory_space<vmem>>
        %dma_wait3A_44 = tpu.memref_squeeze %dma_wait3A_43 : memref<1x128xi32, #tpu.memory_space<vmem>> -> memref<128xi32, #tpu.memory_space<vmem>>
        %dma_wait3A_45 = arith.constant 0 : i32
        %dma_wait3A_46 = arith.constant 0 : i32
        %dma_wait3A_47 = tpu.memref_slice %arg2[%dma_wait3A_45, %dma_wait3A_46] : memref<20480x128xf32, #tpu.memory_space<hbm>> -> memref<20480x128xf32, #tpu.memory_space<hbm>>
        tpu.wait_indirect_dma semaphore(%arg11 : memref<!tpu.dma_semaphore, #tpu.memory_space<semaphore_mem>>) src(%dma_wait3A_47 : memref<20480x128xf32, #tpu.memory_space<hbm>>) dst(%arg8 : memref<128x128xf32, #tpu.memory_space<vmem>>)
        "tpu.region"() ({
          %run_scoped3A = tpu.sem_alloc : memref<!tpu.dma_semaphore, #tpu.memory_space<semaphore_mem>>
          %dma_start3A_58 = arith.constant 0 : i32
          %dma_start3A_59 = tpu.memref_slice %arg7[%mul3A_34, %dma_start3A_58] : memref<40x128xi32, #tpu.memory_space<vmem>> -> memref<1x128xi32, #tpu.memory_space<vmem>>
          %dma_start3A_60 = tpu.memref_squeeze %dma_start3A_59 : memref<1x128xi32, #tpu.memory_space<vmem>> -> memref<128xi32, #tpu.memory_space<vmem>>
          %dma_start3A_61 = arith.constant 0 : i32
          %dma_start3A_62 = arith.constant 0 : i32
          %dma_start3A_63 = tpu.memref_slice %arg10[%dma_start3A_61, %dma_start3A_62] : memref<10240x128xf32, #tpu.memory_space<vmem_shared>> -> memref<10240x128xf32, #tpu.memory_space<vmem_shared>>
          tpu.enqueue_indirect_dma source(%arg8 : memref<128x128xf32, #tpu.memory_space<vmem>>) target(%dma_start3A_63 : memref<10240x128xf32, #tpu.memory_space<vmem_shared>>) offsets(%dma_start3A_60 : memref<128xi32, #tpu.memory_space<vmem>>) semaphore(%run_scoped3A : memref<!tpu.dma_semaphore, #tpu.memory_space<semaphore_mem>>) {add = true}
          %dma_wait3A_64 = arith.constant 0 : i32
          %dma_wait3A_65 = tpu.memref_slice %arg7[%mul3A_34, %dma_wait3A_64] : memref<40x128xi32, #tpu.memory_space<vmem>> -> memref<1x128xi32, #tpu.memory_space<vmem>>
          %dma_wait3A_66 = tpu.memref_squeeze %dma_wait3A_65 : memref<1x128xi32, #tpu.memory_space<vmem>> -> memref<128xi32, #tpu.memory_space<vmem>>
          %dma_wait3A_67 = arith.constant 0 : i32
          %dma_wait3A_68 = arith.constant 0 : i32
          %dma_wait3A_69 = tpu.memref_slice %arg10[%dma_wait3A_67, %dma_wait3A_68] : memref<10240x128xf32, #tpu.memory_space<vmem_shared>> -> memref<10240x128xf32, #tpu.memory_space<vmem_shared>>
          tpu.wait_indirect_dma semaphore(%run_scoped3A : memref<!tpu.dma_semaphore, #tpu.memory_space<semaphore_mem>>) src(%arg8 : memref<128x128xf32, #tpu.memory_space<vmem>>) dst(%dma_wait3A_69 : memref<10240x128xf32, #tpu.memory_space<vmem_shared>>)
          tpu.yield
        }) : () -> ()
        %lt3A = arith.constant 19 : i32
        %lt3A_48 = arith.cmpi slt, %scan3A_32, %lt3A : i32
        %convert_element_type3A_49 = arith.extui %lt3A_48 : i1 to i32
        %cond3A_50 = arith.constant 0 : i32
        %cond3A_51 = arith.cmpi ne, %convert_element_type3A_49, %cond3A_50 : i32
        scf.if %cond3A_51 {
          %add3A_58 = arith.constant 2 : i32
          %add3A_59 = arith.addi %mul3A_34, %add3A_58 : i32
          %dma_start3A_60 = arith.constant 0 : i32
          %dma_start3A_61 = tpu.memref_slice %arg6[%add3A_59, %dma_start3A_60] : memref<40x128xi32, #tpu.memory_space<vmem>> -> memref<1x128xi32, #tpu.memory_space<vmem>>
          %dma_start3A_62 = tpu.memref_squeeze %dma_start3A_61 : memref<1x128xi32, #tpu.memory_space<vmem>> -> memref<128xi32, #tpu.memory_space<vmem>>
          %dma_start3A_63 = arith.constant 0 : i32
          %dma_start3A_64 = arith.constant 0 : i32
          %dma_start3A_65 = tpu.memref_slice %arg2[%dma_start3A_63, %dma_start3A_64] : memref<20480x128xf32, #tpu.memory_space<hbm>> -> memref<20480x128xf32, #tpu.memory_space<hbm>>
          tpu.enqueue_indirect_dma source(%dma_start3A_65 : memref<20480x128xf32, #tpu.memory_space<hbm>>) target(%arg8 : memref<128x128xf32, #tpu.memory_space<vmem>>) offsets(%dma_start3A_62 : memref<128xi32, #tpu.memory_space<vmem>>) semaphore(%arg11 : memref<!tpu.dma_semaphore, #tpu.memory_space<semaphore_mem>>)
        } else {
        }
        %dma_wait3A_52 = arith.constant 0 : i32
        %dma_wait3A_53 = tpu.memref_slice %arg6[%add3A_36, %dma_wait3A_52] : memref<40x128xi32, #tpu.memory_space<vmem>> -> memref<1x128xi32, #tpu.memory_space<vmem>>
        %dma_wait3A_54 = tpu.memref_squeeze %dma_wait3A_53 : memref<1x128xi32, #tpu.memory_space<vmem>> -> memref<128xi32, #tpu.memory_space<vmem>>
        %dma_wait3A_55 = arith.constant 0 : i32
        %dma_wait3A_56 = arith.constant 0 : i32
        %dma_wait3A_57 = tpu.memref_slice %arg2[%dma_wait3A_55, %dma_wait3A_56] : memref<20480x128xf32, #tpu.memory_space<hbm>> -> memref<20480x128xf32, #tpu.memory_space<hbm>>
        tpu.wait_indirect_dma semaphore(%arg12 : memref<!tpu.dma_semaphore, #tpu.memory_space<semaphore_mem>>) src(%dma_wait3A_57 : memref<20480x128xf32, #tpu.memory_space<hbm>>) dst(%arg9 : memref<128x128xf32, #tpu.memory_space<vmem>>)
        "tpu.region"() ({
          %run_scoped3A = tpu.sem_alloc : memref<!tpu.dma_semaphore, #tpu.memory_space<semaphore_mem>>
          %dma_start3A_58 = arith.constant 0 : i32
          %dma_start3A_59 = tpu.memref_slice %arg7[%add3A_36, %dma_start3A_58] : memref<40x128xi32, #tpu.memory_space<vmem>> -> memref<1x128xi32, #tpu.memory_space<vmem>>
          %dma_start3A_60 = tpu.memref_squeeze %dma_start3A_59 : memref<1x128xi32, #tpu.memory_space<vmem>> -> memref<128xi32, #tpu.memory_space<vmem>>
          %dma_start3A_61 = arith.constant 0 : i32
          %dma_start3A_62 = arith.constant 0 : i32
          %dma_start3A_63 = tpu.memref_slice %arg10[%dma_start3A_61, %dma_start3A_62] : memref<10240x128xf32, #tpu.memory_space<vmem_shared>> -> memref<10240x128xf32, #tpu.memory_space<vmem_shared>>
          tpu.enqueue_indirect_dma source(%arg9 : memref<128x128xf32, #tpu.memory_space<vmem>>) target(%dma_start3A_63 : memref<10240x128xf32, #tpu.memory_space<vmem_shared>>) offsets(%dma_start3A_60 : memref<128xi32, #tpu.memory_space<vmem>>) semaphore(%run_scoped3A : memref<!tpu.dma_semaphore, #tpu.memory_space<semaphore_mem>>) {add = true}
          %dma_wait3A_64 = arith.constant 0 : i32
          %dma_wait3A_65 = tpu.memref_slice %arg7[%add3A_36, %dma_wait3A_64] : memref<40x128xi32, #tpu.memory_space<vmem>> -> memref<1x128xi32, #tpu.memory_space<vmem>>
          %dma_wait3A_66 = tpu.memref_squeeze %dma_wait3A_65 : memref<1x128xi32, #tpu.memory_space<vmem>> -> memref<128xi32, #tpu.memory_space<vmem>>
          %dma_wait3A_67 = arith.constant 0 : i32
          %dma_wait3A_68 = arith.constant 0 : i32
          %dma_wait3A_69 = tpu.memref_slice %arg10[%dma_wait3A_67, %dma_wait3A_68] : memref<10240x128xf32, #tpu.memory_space<vmem_shared>> -> memref<10240x128xf32, #tpu.memory_space<vmem_shared>>
          tpu.wait_indirect_dma semaphore(%run_scoped3A : memref<!tpu.dma_semaphore, #tpu.memory_space<semaphore_mem>>) src(%arg9 : memref<128x128xf32, #tpu.memory_space<vmem>>) dst(%dma_wait3A_69 : memref<10240x128xf32, #tpu.memory_space<vmem_shared>>)
          tpu.yield
        }) : () -> ()
      }
      %scan3A_31 = arith.constant 20 : i32
    }
    %scan3A_9 = arith.constant 4 : i32
    %barrier3A_10 = arith.constant 0 : index
    tpu.barrier barrier_id(%barrier3A_10)
    %mul3A_11 = arith.constant 640 : i32
    %mul3A_12 = arith.muli %arg1, %mul3A_11 : i32
    "tpu.region"() ({
      %run_scoped3A = tpu.sem_alloc : memref<!tpu.dma_semaphore, #tpu.memory_space<semaphore_mem>>
      %dma_start3A = arith.constant 0 : i32
      %dma_start3A_13 = tpu.memref_slice %arg5[%add3A, %dma_start3A] : memref<20480x128xf32, #tpu.memory_space<hbm>> -> memref<640x128xf32, #tpu.memory_space<hbm>>
      %dma_start3A_14 = arith.constant 0 : i32
      %dma_start3A_15 = tpu.memref_slice %arg10[%mul3A_12, %dma_start3A_14] : memref<10240x128xf32, #tpu.memory_space<vmem_shared>> -> memref<640x128xf32, #tpu.memory_space<vmem_shared>>
      tpu.enqueue_dma source(%dma_start3A_15 : memref<640x128xf32, #tpu.memory_space<vmem_shared>>) target(%dma_start3A_13 : memref<640x128xf32, #tpu.memory_space<hbm>>) target_semaphore(%run_scoped3A : memref<!tpu.dma_semaphore, #tpu.memory_space<semaphore_mem>>)
      %dma_wait3A = arith.constant 0 : i32
      %dma_wait3A_16 = tpu.memref_slice %arg5[%add3A, %dma_wait3A] : memref<20480x128xf32, #tpu.memory_space<hbm>> -> memref<640x128xf32, #tpu.memory_space<hbm>>
      %dma_wait3A_17 = arith.constant 0 : i32
      %dma_wait3A_18 = tpu.memref_slice %arg10[%mul3A_12, %dma_wait3A_17] : memref<10240x128xf32, #tpu.memory_space<vmem_shared>> -> memref<640x128xf32, #tpu.memory_space<vmem_shared>>
      tpu.wait_dma2 semaphore(%run_scoped3A : memref<!tpu.dma_semaphore, #tpu.memory_space<semaphore_mem>>) src(%dma_wait3A_18 : memref<640x128xf32, #tpu.memory_space<vmem_shared>>) dst(%dma_wait3A_16 : memref<640x128xf32, #tpu.memory_space<hbm>>)
      tpu.yield
    }) : () -> ()
    return
  }
}

module attributes {stable_mosaic.version = 14 : i64} {
  func.func @_tc1_body(%arg0: i32, %arg1: memref<2048x128xf32, #tpu.memory_space<vmem>>, %arg2: memref<128x256xf32, #tpu.memory_space<vmem>>, %arg3: memref<2x1x16x128xf32, #tpu.memory_space<vmem>>, %arg4: memref<2x1x2048x128xf32, #tpu.memory_space<vmem>>) attributes {dimension_semantics = [#tpu.dimension_semantics<arbitrary>], iteration_bounds = array<i64: 5>, scalar_prefetch = 0 : i64, scratch_operands = 0 : i64, tpu.core_type = #tpu.core_type<tc>, window_params = [{transform_indices = @transform_0, window_bounds = array<i64: 2048, 128>}, {pipeline_mode = #tpu.pipeline_mode<synchronous>, transform_indices = @transform_1, window_bounds = array<i64: 128, 256>}, {transform_indices = @transform_2, window_bounds = array<i64: 2, 1, 16, 128>}, {transform_indices = @transform_3, window_bounds = array<i64: 2, 1, 2048, 128>}]} {
    %get3A = arith.constant 0 : index
    %get3A_0 = arith.constant 0 : index
    %get3A_1 = arith.constant 0 : index
    %get3A_2 = arith.constant 0 : index
    %get3A_3 = vector.load %arg3[%get3A, %get3A_0, %get3A_1, %get3A_2] : memref<2x1x16x128xf32, #tpu.memory_space<vmem>>, vector<1x1x16x128xf32>
    %get3A_4 = vector.shape_cast %get3A_3 : vector<1x1x16x128xf32> to vector<16x128xf32>
    %get3A_5 = arith.constant 1 : index
    %get3A_6 = arith.constant 0 : index
    %get3A_7 = arith.constant 0 : index
    %get3A_8 = arith.constant 0 : index
    %get3A_9 = vector.load %arg3[%get3A_5, %get3A_6, %get3A_7, %get3A_8] : memref<2x1x16x128xf32, #tpu.memory_space<vmem>>, vector<1x1x16x128xf32>
    %get3A_10 = vector.shape_cast %get3A_9 : vector<1x1x16x128xf32> to vector<16x128xf32>
    %add3A = arith.addf %get3A_4, %get3A_10 : vector<16x128xf32>
    %add3A_11 = arith.constant 1.000000e+00 : f32
    %add3A_12 = vector.broadcast %add3A_11 : f32 to vector<16x128xf32>
    %add3A_13 = arith.addf %add3A, %add3A_12 : vector<16x128xf32>
    %iota3A = tpu.iota {dimensions = array<i32: 0>} : vector<2048x16xi32>
    %jit3A = arith.constant 128 : i32
    %div3A = vector.broadcast %jit3A : i32 to vector<2048x16xi32>
    %div3A_14 = arith.divsi %iota3A, %div3A : vector<2048x16xi32>
    %sign3A = arith.constant 0 : i32
    %sign3A_15 = vector.broadcast %sign3A : i32 to vector<2048x16xi32>
    %sign3A_16 = arith.cmpi sgt, %iota3A, %sign3A_15 : vector<2048x16xi32>
    %sign3A_17 = arith.extui %sign3A_16 : vector<2048x16xi1> to vector<2048x16xi32>
    %sign3A_18 = arith.constant 0 : i32
    %sign3A_19 = vector.broadcast %sign3A_18 : i32 to vector<2048x16xi32>
    %sign3A_20 = arith.cmpi slt, %iota3A, %sign3A_19 : vector<2048x16xi32>
    %sign3A_21 = arith.extui %sign3A_20 : vector<2048x16xi1> to vector<2048x16xi32>
    %sign3A_22 = arith.subi %sign3A_17, %sign3A_21 : vector<2048x16xi32>
    %sign3A_23 = arith.constant 0 : i32
    %sign3A_24 = arith.cmpi sgt, %jit3A, %sign3A_23 : i32
    %sign3A_25 = arith.extui %sign3A_24 : i1 to i32
    %sign3A_26 = arith.constant 0 : i32
    %sign3A_27 = arith.cmpi slt, %jit3A, %sign3A_26 : i32
    %sign3A_28 = arith.extui %sign3A_27 : i1 to i32
    %sign3A_29 = arith.subi %sign3A_25, %sign3A_28 : i32
    %ne3A = vector.broadcast %sign3A_29 : i32 to vector<2048x16xi32>
    %ne3A_30 = arith.cmpi ne, %sign3A_22, %ne3A : vector<2048x16xi32>
    %rem3A = vector.broadcast %jit3A : i32 to vector<2048x16xi32>
    %rem3A_31 = arith.remsi %iota3A, %rem3A : vector<2048x16xi32>
    %ne3A_32 = arith.constant 0 : i32
    %ne3A_33 = vector.broadcast %ne3A_32 : i32 to vector<2048x16xi32>
    %ne3A_34 = arith.cmpi ne, %rem3A_31, %ne3A_33 : vector<2048x16xi32>
    %and3A = arith.andi %ne3A_30, %ne3A_34 : vector<2048x16xi1>
    %sub3A = arith.constant 1 : i32
    %sub3A_35 = vector.broadcast %sub3A : i32 to vector<2048x16xi32>
    %sub3A_36 = arith.subi %div3A_14, %sub3A_35 : vector<2048x16xi32>
    %select_n3A = arith.select %and3A, %sub3A_36, %div3A_14 : vector<2048x16xi1>, vector<2048x16xi32>
    %iota3A_37 = tpu.iota {dimensions = array<i32: 1>} : vector<2048x16xi32>
    %eq3A = arith.cmpi eq, %select_n3A, %iota3A_37 : vector<2048x16xi32>
    %convert_element_type3A = arith.extui %eq3A : vector<2048x16xi1> to vector<2048x16xi32>
    %convert_element_type3A_38 = arith.sitofp %convert_element_type3A : vector<2048x16xi32> to vector<2048x16xf32>
    %dot_general3A = arith.constant dense<0.000000e+00> : vector<2048x128xf32>
    %dot_general3A_39 = tpu.matmul %convert_element_type3A_38, %add3A_13, %dot_general3A {dimension_numbers = #tpu.dot_dimension_numbers<[1], [0], [0], [1], [0, 0, 1, 1], [], []>, transpose_lhs_hint = false} : vector<2048x16xf32>, vector<16x128xf32>, vector<2048x128xf32> -> vector<2048x128xf32>
    %iota3A_40 = tpu.iota {dimensions = array<i32: 0>} : vector<2048x128xi32>
    %jit3A_41 = arith.constant 128 : i32
    %eq3A_42 = arith.constant 0 : i32
    %eq3A_43 = arith.cmpi eq, %jit3A_41, %eq3A_42 : i32
    %jit3A_44 = arith.constant 1 : i32
    %select_n3A_45 = arith.select %eq3A_43, %jit3A_44, %jit3A_41 : i32
    %rem3A_46 = vector.broadcast %select_n3A_45 : i32 to vector<2048x128xi32>
    %rem3A_47 = arith.remsi %iota3A_40, %rem3A_46 : vector<2048x128xi32>
    %ne3A_48 = arith.constant 0 : i32
    %ne3A_49 = vector.broadcast %ne3A_48 : i32 to vector<2048x128xi32>
    %ne3A_50 = arith.cmpi ne, %rem3A_47, %ne3A_49 : vector<2048x128xi32>
    %lt3A = arith.constant 0 : i32
    %lt3A_51 = vector.broadcast %lt3A : i32 to vector<2048x128xi32>
    %lt3A_52 = arith.cmpi slt, %rem3A_47, %lt3A_51 : vector<2048x128xi32>
    %lt3A_53 = arith.constant 0 : i32
    %lt3A_54 = arith.cmpi slt, %select_n3A_45, %lt3A_53 : i32
    %ne3A_55 = vector.broadcast %lt3A_54 : i1 to vector<2048x128xi1>
    %ne3A_56 = vector.broadcast %ne3A_55 : vector<2048x128xi1> to vector<2048x128xi1>
    %ne3A_57 = arith.xori %lt3A_52, %ne3A_56 : vector<2048x128xi1>
    %and3A_58 = arith.andi %ne3A_57, %ne3A_50 : vector<2048x128xi1>
    %add3A_59 = vector.broadcast %select_n3A_45 : i32 to vector<2048x128xi32>
    %add3A_60 = arith.addi %rem3A_47, %add3A_59 : vector<2048x128xi32>
    %select_n3A_61 = arith.select %and3A_58, %add3A_60, %rem3A_47 : vector<2048x128xi1>, vector<2048x128xi32>
    %iota3A_62 = tpu.iota {dimensions = array<i32: 1>} : vector<2048x128xi32>
    %eq3A_63 = arith.cmpi eq, %select_n3A_61, %iota3A_62 : vector<2048x128xi32>
    %convert_element_type3A_64 = arith.extui %eq3A_63 : vector<2048x128xi1> to vector<2048x128xi32>
    %convert_element_type3A_65 = arith.sitofp %convert_element_type3A_64 : vector<2048x128xi32> to vector<2048x128xf32>
    %mul3A = arith.mulf %dot_general3A_39, %convert_element_type3A_65 : vector<2048x128xf32>
    %broadcast_in_dim3A = arith.constant 1.000000e+00 : f32
    %broadcast_in_dim3A_66 = vector.broadcast %broadcast_in_dim3A : f32 to vector<128x1xf32>
    %dot_general3A_67 = arith.constant dense<0.000000e+00> : vector<2048x1xf32>
    %dot_general3A_68 = tpu.matmul %mul3A, %broadcast_in_dim3A_66, %dot_general3A_67 {dimension_numbers = #tpu.dot_dimension_numbers<[1], [0], [0], [1], [0, 0, 1, 1], [], []>, transpose_lhs_hint = false} : vector<2048x128xf32>, vector<128x1xf32>, vector<2048x1xf32> -> vector<2048x1xf32>
    %iota3A_69 = tpu.iota {dimensions = array<i32: 0>} : vector<2048x1xi32>
    %mul3A_70 = arith.constant 2048 : i32
    %mul3A_71 = arith.muli %arg0, %mul3A_70 : i32
    %add3A_72 = vector.broadcast %mul3A_71 : i32 to vector<2048x1xi32>
    %add3A_73 = arith.addi %iota3A_69, %add3A_72 : vector<2048x1xi32>
    %lt3A_74 = arith.constant 10000 : i32
    %lt3A_75 = vector.broadcast %lt3A_74 : i32 to vector<2048x1xi32>
    %lt3A_76 = arith.cmpi slt, %add3A_73, %lt3A_75 : vector<2048x1xi32>
    %rsqrt3A = math.rsqrt %dot_general3A_68 : vector<2048x1xf32>
    %jit3A_77 = arith.constant 0.000000e+00 : f32
    %broadcast_in_dim3A_78 = vector.broadcast %jit3A_77 : f32 to vector<2048x1xf32>
    %select_n3A_79 = arith.select %lt3A_76, %rsqrt3A, %broadcast_in_dim3A_78 : vector<2048x1xi1>, vector<2048x1xf32>
    %get3A_80 = arith.constant 0 : index
    %get3A_81 = arith.constant 0 : index
    %get3A_82 = vector.load %arg1[%get3A_80, %get3A_81] : memref<2048x128xf32, #tpu.memory_space<vmem>>, vector<2048x128xf32>
    %get3A_83 = arith.constant 0 : index
    %get3A_84 = arith.constant 0 : index
    %get3A_85 = vector.load %arg2[%get3A_83, %get3A_84] : memref<128x256xf32, #tpu.memory_space<vmem>>, vector<128x256xf32>
    %dot_general3A_86 = arith.constant dense<0.000000e+00> : vector<2048x256xf32>
    %dot_general3A_87 = tpu.matmul %get3A_82, %get3A_85, %dot_general3A_86 {dimension_numbers = #tpu.dot_dimension_numbers<[1], [0], [0], [1], [0, 0, 1, 1], [], []>, transpose_lhs_hint = false} : vector<2048x128xf32>, vector<128x256xf32>, vector<2048x256xf32> -> vector<2048x256xf32>
    %mul3A_88 = vector.broadcast %select_n3A_79 : vector<2048x1xf32> to vector<2048x256xf32>
    %mul3A_89 = arith.mulf %dot_general3A_87, %mul3A_88 : vector<2048x256xf32>
    %slice3A = vector.extract_strided_slice %mul3A_89 {offsets = [0, 0], sizes = [2048, 128], strides = [1, 1]} : vector<2048x256xf32> to vector<2048x128xf32>
    %swap3A = arith.constant 0 : index
    %swap3A_90 = arith.constant 0 : index
    %swap3A_91 = arith.constant 0 : index
    %swap3A_92 = arith.constant 0 : index
    %swap3A_93 = vector.load %arg4[%swap3A, %swap3A_90, %swap3A_91, %swap3A_92] : memref<2x1x2048x128xf32, #tpu.memory_space<vmem>>, vector<1x1x2048x128xf32>
    %swap3A_94 = vector.shape_cast %swap3A_93 : vector<1x1x2048x128xf32> to vector<2048x128xf32>
    %swap3A_95 = vector.shape_cast %slice3A : vector<2048x128xf32> to vector<1x1x2048x128xf32>
    tpu.vector_store %arg4[%swap3A, %swap3A_90, %swap3A_91, %swap3A_92], %swap3A_95 {strides = array<i32>} : memref<2x1x2048x128xf32, #tpu.memory_space<vmem>>, vector<1x1x2048x128xf32>,
    %slice3A_96 = vector.extract_strided_slice %mul3A_89 {offsets = [0, 128], sizes = [2048, 128], strides = [1, 1]} : vector<2048x256xf32> to vector<2048x128xf32>
    %swap3A_97 = arith.constant 1 : index
    %swap3A_98 = arith.constant 0 : index
    %swap3A_99 = arith.constant 0 : index
    %swap3A_100 = arith.constant 0 : index
    %swap3A_101 = vector.load %arg4[%swap3A_97, %swap3A_98, %swap3A_99, %swap3A_100] : memref<2x1x2048x128xf32, #tpu.memory_space<vmem>>, vector<1x1x2048x128xf32>
    %swap3A_102 = vector.shape_cast %swap3A_101 : vector<1x1x2048x128xf32> to vector<2048x128xf32>
    %swap3A_103 = vector.shape_cast %slice3A_96 : vector<2048x128xf32> to vector<1x1x2048x128xf32>
    tpu.vector_store %arg4[%swap3A_97, %swap3A_98, %swap3A_99, %swap3A_100], %swap3A_103 {strides = array<i32>} : memref<2x1x2048x128xf32, #tpu.memory_space<vmem>>, vector<1x1x2048x128xf32>,
    return
  }
  func.func @transform_0(%arg0: i32) -> (i32, i32) {
    %c0_i32 = arith.constant 0 : i32
    %c0_i32_0 = arith.constant 0 : i32
    return %arg0, %c0_i32 : i32, i32
  }
  func.func @transform_1(%arg0: i32) -> (i32, i32) {
    %c0_i32 = arith.constant 0 : i32
    %c0_i32_0 = arith.constant 0 : i32
    %c0_i32_1 = arith.constant 0 : i32
    return %c0_i32, %c0_i32_0 : i32, i32
  }
  func.func @transform_2(%arg0: i32) -> (i32, i32, i32, i32) {
    %c0_i32 = arith.constant 0 : i32
    %c0_i32_0 = arith.constant 0 : i32
    %c0_i32_1 = arith.constant 0 : i32
    %c0_i32_2 = arith.constant 0 : i32
    return %c0_i32, %arg0, %c0_i32_0, %c0_i32_1 : i32, i32, i32, i32
  }
  func.func @transform_3(%arg0: i32) -> (i32, i32, i32, i32) {
    %c0_i32 = arith.constant 0 : i32
    %c0_i32_0 = arith.constant 0 : i32
    %c0_i32_1 = arith.constant 0 : i32
    %c0_i32_2 = arith.constant 0 : i32
    return %c0_i32, %arg0, %c0_i32_0, %c0_i32_1 : i32, i32, i32, i32
  }
}

module attributes {stable_mosaic.version = 14 : i64} {
  func.func @_tc2_body(%arg0: i32, %arg1: memref<2x1x2048x128xf32, #tpu.memory_space<vmem>>, %arg2: memref<2x1x16x128xf32, #tpu.memory_space<vmem>>, %arg3: memref<1x256xf32, #tpu.memory_space<vmem>>, %arg4: memref<256x256xf32, #tpu.memory_space<vmem>>, %arg5: memref<2x1x2048x128xf32, #tpu.memory_space<vmem>>) attributes {dimension_semantics = [#tpu.dimension_semantics<arbitrary>], iteration_bounds = array<i64: 5>, scalar_prefetch = 0 : i64, scratch_operands = 0 : i64, tpu.core_type = #tpu.core_type<tc>, window_params = [{transform_indices = @transform_0, window_bounds = array<i64: 2, 1, 2048, 128>}, {transform_indices = @transform_1, window_bounds = array<i64: 2, 1, 16, 128>}, {pipeline_mode = #tpu.pipeline_mode<synchronous>, transform_indices = @transform_2, window_bounds = array<i64: 1, 256>}, {pipeline_mode = #tpu.pipeline_mode<synchronous>, transform_indices = @transform_3, window_bounds = array<i64: 256, 256>}, {transform_indices = @transform_4, window_bounds = array<i64: 2, 1, 2048, 128>}]} {
    %get3A = arith.constant 0 : index
    %get3A_0 = arith.constant 0 : index
    %get3A_1 = arith.constant 0 : index
    %get3A_2 = arith.constant 0 : index
    %get3A_3 = vector.load %arg2[%get3A, %get3A_0, %get3A_1, %get3A_2] : memref<2x1x16x128xf32, #tpu.memory_space<vmem>>, vector<1x1x16x128xf32>
    %get3A_4 = vector.shape_cast %get3A_3 : vector<1x1x16x128xf32> to vector<16x128xf32>
    %get3A_5 = arith.constant 1 : index
    %get3A_6 = arith.constant 0 : index
    %get3A_7 = arith.constant 0 : index
    %get3A_8 = arith.constant 0 : index
    %get3A_9 = vector.load %arg2[%get3A_5, %get3A_6, %get3A_7, %get3A_8] : memref<2x1x16x128xf32, #tpu.memory_space<vmem>>, vector<1x1x16x128xf32>
    %get3A_10 = vector.shape_cast %get3A_9 : vector<1x1x16x128xf32> to vector<16x128xf32>
    %add3A = arith.addf %get3A_4, %get3A_10 : vector<16x128xf32>
    %add3A_11 = arith.constant 1.000000e+00 : f32
    %add3A_12 = vector.broadcast %add3A_11 : f32 to vector<16x128xf32>
    %add3A_13 = arith.addf %add3A, %add3A_12 : vector<16x128xf32>
    %iota3A = tpu.iota {dimensions = array<i32: 0>} : vector<2048x16xi32>
    %jit3A = arith.constant 128 : i32
    %div3A = vector.broadcast %jit3A : i32 to vector<2048x16xi32>
    %div3A_14 = arith.divsi %iota3A, %div3A : vector<2048x16xi32>
    %sign3A = arith.constant 0 : i32
    %sign3A_15 = vector.broadcast %sign3A : i32 to vector<2048x16xi32>
    %sign3A_16 = arith.cmpi sgt, %iota3A, %sign3A_15 : vector<2048x16xi32>
    %sign3A_17 = arith.extui %sign3A_16 : vector<2048x16xi1> to vector<2048x16xi32>
    %sign3A_18 = arith.constant 0 : i32
    %sign3A_19 = vector.broadcast %sign3A_18 : i32 to vector<2048x16xi32>
    %sign3A_20 = arith.cmpi slt, %iota3A, %sign3A_19 : vector<2048x16xi32>
    %sign3A_21 = arith.extui %sign3A_20 : vector<2048x16xi1> to vector<2048x16xi32>
    %sign3A_22 = arith.subi %sign3A_17, %sign3A_21 : vector<2048x16xi32>
    %sign3A_23 = arith.constant 0 : i32
    %sign3A_24 = arith.cmpi sgt, %jit3A, %sign3A_23 : i32
    %sign3A_25 = arith.extui %sign3A_24 : i1 to i32
    %sign3A_26 = arith.constant 0 : i32
    %sign3A_27 = arith.cmpi slt, %jit3A, %sign3A_26 : i32
    %sign3A_28 = arith.extui %sign3A_27 : i1 to i32
    %sign3A_29 = arith.subi %sign3A_25, %sign3A_28 : i32
    %ne3A = vector.broadcast %sign3A_29 : i32 to vector<2048x16xi32>
    %ne3A_30 = arith.cmpi ne, %sign3A_22, %ne3A : vector<2048x16xi32>
    %rem3A = vector.broadcast %jit3A : i32 to vector<2048x16xi32>
    %rem3A_31 = arith.remsi %iota3A, %rem3A : vector<2048x16xi32>
    %ne3A_32 = arith.constant 0 : i32
    %ne3A_33 = vector.broadcast %ne3A_32 : i32 to vector<2048x16xi32>
    %ne3A_34 = arith.cmpi ne, %rem3A_31, %ne3A_33 : vector<2048x16xi32>
    %and3A = arith.andi %ne3A_30, %ne3A_34 : vector<2048x16xi1>
    %sub3A = arith.constant 1 : i32
    %sub3A_35 = vector.broadcast %sub3A : i32 to vector<2048x16xi32>
    %sub3A_36 = arith.subi %div3A_14, %sub3A_35 : vector<2048x16xi32>
    %select_n3A = arith.select %and3A, %sub3A_36, %div3A_14 : vector<2048x16xi1>, vector<2048x16xi32>
    %iota3A_37 = tpu.iota {dimensions = array<i32: 1>} : vector<2048x16xi32>
    %eq3A = arith.cmpi eq, %select_n3A, %iota3A_37 : vector<2048x16xi32>
    %convert_element_type3A = arith.extui %eq3A : vector<2048x16xi1> to vector<2048x16xi32>
    %convert_element_type3A_38 = arith.sitofp %convert_element_type3A : vector<2048x16xi32> to vector<2048x16xf32>
    %dot_general3A = arith.constant dense<0.000000e+00> : vector<2048x128xf32>
    %dot_general3A_39 = tpu.matmul %convert_element_type3A_38, %add3A_13, %dot_general3A {dimension_numbers = #tpu.dot_dimension_numbers<[1], [0], [0], [1], [0, 0, 1, 1], [], []>, transpose_lhs_hint = false} : vector<2048x16xf32>, vector<16x128xf32>, vector<2048x128xf32> -> vector<2048x128xf32>
    %iota3A_40 = tpu.iota {dimensions = array<i32: 0>} : vector<2048x128xi32>
    %jit3A_41 = arith.constant 128 : i32
    %eq3A_42 = arith.constant 0 : i32
    %eq3A_43 = arith.cmpi eq, %jit3A_41, %eq3A_42 : i32
    %jit3A_44 = arith.constant 1 : i32
    %select_n3A_45 = arith.select %eq3A_43, %jit3A_44, %jit3A_41 : i32
    %rem3A_46 = vector.broadcast %select_n3A_45 : i32 to vector<2048x128xi32>
    %rem3A_47 = arith.remsi %iota3A_40, %rem3A_46 : vector<2048x128xi32>
    %ne3A_48 = arith.constant 0 : i32
    %ne3A_49 = vector.broadcast %ne3A_48 : i32 to vector<2048x128xi32>
    %ne3A_50 = arith.cmpi ne, %rem3A_47, %ne3A_49 : vector<2048x128xi32>
    %lt3A = arith.constant 0 : i32
    %lt3A_51 = vector.broadcast %lt3A : i32 to vector<2048x128xi32>
    %lt3A_52 = arith.cmpi slt, %rem3A_47, %lt3A_51 : vector<2048x128xi32>
    %lt3A_53 = arith.constant 0 : i32
    %lt3A_54 = arith.cmpi slt, %select_n3A_45, %lt3A_53 : i32
    %ne3A_55 = vector.broadcast %lt3A_54 : i1 to vector<2048x128xi1>
    %ne3A_56 = vector.broadcast %ne3A_55 : vector<2048x128xi1> to vector<2048x128xi1>
    %ne3A_57 = arith.xori %lt3A_52, %ne3A_56 : vector<2048x128xi1>
    %and3A_58 = arith.andi %ne3A_57, %ne3A_50 : vector<2048x128xi1>
    %add3A_59 = vector.broadcast %select_n3A_45 : i32 to vector<2048x128xi32>
    %add3A_60 = arith.addi %rem3A_47, %add3A_59 : vector<2048x128xi32>
    %select_n3A_61 = arith.select %and3A_58, %add3A_60, %rem3A_47 : vector<2048x128xi1>, vector<2048x128xi32>
    %iota3A_62 = tpu.iota {dimensions = array<i32: 1>} : vector<2048x128xi32>
    %eq3A_63 = arith.cmpi eq, %select_n3A_61, %iota3A_62 : vector<2048x128xi32>
    %convert_element_type3A_64 = arith.extui %eq3A_63 : vector<2048x128xi1> to vector<2048x128xi32>
    %convert_element_type3A_65 = arith.sitofp %convert_element_type3A_64 : vector<2048x128xi32> to vector<2048x128xf32>
    %mul3A = arith.mulf %dot_general3A_39, %convert_element_type3A_65 : vector<2048x128xf32>
    %broadcast_in_dim3A = arith.constant 1.000000e+00 : f32
    %broadcast_in_dim3A_66 = vector.broadcast %broadcast_in_dim3A : f32 to vector<128x1xf32>
    %dot_general3A_67 = arith.constant dense<0.000000e+00> : vector<2048x1xf32>
    %dot_general3A_68 = tpu.matmul %mul3A, %broadcast_in_dim3A_66, %dot_general3A_67 {dimension_numbers = #tpu.dot_dimension_numbers<[1], [0], [0], [1], [0, 0, 1, 1], [], []>, transpose_lhs_hint = false} : vector<2048x128xf32>, vector<128x1xf32>, vector<2048x1xf32> -> vector<2048x1xf32>
    %iota3A_69 = tpu.iota {dimensions = array<i32: 0>} : vector<2048x1xi32>
    %mul3A_70 = arith.constant 2048 : i32
    %mul3A_71 = arith.muli %arg0, %mul3A_70 : i32
    %add3A_72 = vector.broadcast %mul3A_71 : i32 to vector<2048x1xi32>
    %add3A_73 = arith.addi %iota3A_69, %add3A_72 : vector<2048x1xi32>
    %lt3A_74 = arith.constant 10000 : i32
    %lt3A_75 = vector.broadcast %lt3A_74 : i32 to vector<2048x1xi32>
    %lt3A_76 = arith.cmpi slt, %add3A_73, %lt3A_75 : vector<2048x1xi32>
    %rsqrt3A = math.rsqrt %dot_general3A_68 : vector<2048x1xf32>
    %jit3A_77 = arith.constant 0.000000e+00 : f32
    %broadcast_in_dim3A_78 = vector.broadcast %jit3A_77 : f32 to vector<2048x1xf32>
    %select_n3A_79 = arith.select %lt3A_76, %rsqrt3A, %broadcast_in_dim3A_78 : vector<2048x1xi1>, vector<2048x1xf32>
    %get3A_80 = arith.constant 0 : index
    %get3A_81 = arith.constant 0 : index
    %get3A_82 = arith.constant 0 : index
    %get3A_83 = arith.constant 0 : index
    %get3A_84 = vector.load %arg1[%get3A_80, %get3A_81, %get3A_82, %get3A_83] : memref<2x1x2048x128xf32, #tpu.memory_space<vmem>>, vector<1x1x2048x128xf32>
    %get3A_85 = vector.shape_cast %get3A_84 : vector<1x1x2048x128xf32> to vector<2048x128xf32>
    %get3A_86 = arith.constant 1 : index
    %get3A_87 = arith.constant 0 : index
    %get3A_88 = arith.constant 0 : index
    %get3A_89 = arith.constant 0 : index
    %get3A_90 = vector.load %arg1[%get3A_86, %get3A_87, %get3A_88, %get3A_89] : memref<2x1x2048x128xf32, #tpu.memory_space<vmem>>, vector<1x1x2048x128xf32>
    %get3A_91 = vector.shape_cast %get3A_90 : vector<1x1x2048x128xf32> to vector<2048x128xf32>
    %concatenate3A = tpu.concatenate %get3A_85, %get3A_91 in 1 : vector<2048x128xf32>, vector<2048x128xf32> -> vector<2048x256xf32>
    %mul3A_92 = vector.broadcast %select_n3A_79 : vector<2048x1xf32> to vector<2048x256xf32>
    %mul3A_93 = arith.mulf %concatenate3A, %mul3A_92 : vector<2048x256xf32>
    %get3A_94 = arith.constant 0 : index
    %get3A_95 = arith.constant 0 : index
    %get3A_96 = vector.load %arg3[%get3A_94, %get3A_95] : memref<1x256xf32, #tpu.memory_space<vmem>>, vector<1x256xf32>
    %add3A_97 = vector.broadcast %get3A_96 : vector<1x256xf32> to vector<2048x256xf32>
    %add3A_98 = arith.addf %mul3A_93, %add3A_97 : vector<2048x256xf32>
    %max3A = arith.constant 0.000000e+00 : f32
    %max3A_99 = vector.broadcast %max3A : f32 to vector<2048x256xf32>
    %max3A_100 = arith.maximumf %add3A_98, %max3A_99 : vector<2048x256xf32>
    %get3A_101 = arith.constant 0 : index
    %get3A_102 = arith.constant 0 : index
    %get3A_103 = vector.load %arg4[%get3A_101, %get3A_102] : memref<256x256xf32, #tpu.memory_space<vmem>>, vector<256x256xf32>
    %dot_general3A_104 = arith.constant dense<0.000000e+00> : vector<2048x256xf32>
    %dot_general3A_105 = tpu.matmul %max3A_100, %get3A_103, %dot_general3A_104 {dimension_numbers = #tpu.dot_dimension_numbers<[1], [0], [0], [1], [0, 0, 1, 1], [], []>, transpose_lhs_hint = false} : vector<2048x256xf32>, vector<256x256xf32>, vector<2048x256xf32> -> vector<2048x256xf32>
    %mul3A_106 = vector.broadcast %select_n3A_79 : vector<2048x1xf32> to vector<2048x256xf32>
    %mul3A_107 = arith.mulf %dot_general3A_105, %mul3A_106 : vector<2048x256xf32>
    %slice3A = vector.extract_strided_slice %mul3A_107 {offsets = [0, 0], sizes = [2048, 128], strides = [1, 1]} : vector<2048x256xf32> to vector<2048x128xf32>
    %swap3A = arith.constant 0 : index
    %swap3A_108 = arith.constant 0 : index
    %swap3A_109 = arith.constant 0 : index
    %swap3A_110 = arith.constant 0 : index
    %swap3A_111 = vector.load %arg5[%swap3A, %swap3A_108, %swap3A_109, %swap3A_110] : memref<2x1x2048x128xf32, #tpu.memory_space<vmem>>, vector<1x1x2048x128xf32>
    %swap3A_112 = vector.shape_cast %swap3A_111 : vector<1x1x2048x128xf32> to vector<2048x128xf32>
    %swap3A_113 = vector.shape_cast %slice3A : vector<2048x128xf32> to vector<1x1x2048x128xf32>
    tpu.vector_store %arg5[%swap3A, %swap3A_108, %swap3A_109, %swap3A_110], %swap3A_113 {strides = array<i32>} : memref<2x1x2048x128xf32, #tpu.memory_space<vmem>>, vector<1x1x2048x128xf32>,
    %slice3A_114 = vector.extract_strided_slice %mul3A_107 {offsets = [0, 128], sizes = [2048, 128], strides = [1, 1]} : vector<2048x256xf32> to vector<2048x128xf32>
    %swap3A_115 = arith.constant 1 : index
    %swap3A_116 = arith.constant 0 : index
    %swap3A_117 = arith.constant 0 : index
    %swap3A_118 = arith.constant 0 : index
    %swap3A_119 = vector.load %arg5[%swap3A_115, %swap3A_116, %swap3A_117, %swap3A_118] : memref<2x1x2048x128xf32, #tpu.memory_space<vmem>>, vector<1x1x2048x128xf32>
    %swap3A_120 = vector.shape_cast %swap3A_119 : vector<1x1x2048x128xf32> to vector<2048x128xf32>
    %swap3A_121 = vector.shape_cast %slice3A_114 : vector<2048x128xf32> to vector<1x1x2048x128xf32>
    tpu.vector_store %arg5[%swap3A_115, %swap3A_116, %swap3A_117, %swap3A_118], %swap3A_121 {strides = array<i32>} : memref<2x1x2048x128xf32, #tpu.memory_space<vmem>>, vector<1x1x2048x128xf32>,
    return
  }
  func.func @transform_0(%arg0: i32) -> (i32, i32, i32, i32) {
    %c0_i32 = arith.constant 0 : i32
    %c0_i32_0 = arith.constant 0 : i32
    %c0_i32_1 = arith.constant 0 : i32
    %c0_i32_2 = arith.constant 0 : i32
    return %c0_i32, %arg0, %c0_i32_0, %c0_i32_1 : i32, i32, i32, i32
  }
  func.func @transform_1(%arg0: i32) -> (i32, i32, i32, i32) {
    %c0_i32 = arith.constant 0 : i32
    %c0_i32_0 = arith.constant 0 : i32
    %c0_i32_1 = arith.constant 0 : i32
    %c0_i32_2 = arith.constant 0 : i32
    return %c0_i32, %arg0, %c0_i32_0, %c0_i32_1 : i32, i32, i32, i32
  }
  func.func @transform_2(%arg0: i32) -> (i32, i32) {
    %c0_i32 = arith.constant 0 : i32
    %c0_i32_0 = arith.constant 0 : i32
    %c0_i32_1 = arith.constant 0 : i32
    return %c0_i32, %c0_i32_0 : i32, i32
  }
  func.func @transform_3(%arg0: i32) -> (i32, i32) {
    %c0_i32 = arith.constant 0 : i32
    %c0_i32_0 = arith.constant 0 : i32
    %c0_i32_1 = arith.constant 0 : i32
    return %c0_i32, %c0_i32_0 : i32, i32
  }
  func.func @transform_4(%arg0: i32) -> (i32, i32, i32, i32) {
    %c0_i32 = arith.constant 0 : i32
    %c0_i32_0 = arith.constant 0 : i32
    %c0_i32_1 = arith.constant 0 : i32
    %c0_i32_2 = arith.constant 0 : i32
    return %c0_i32, %arg0, %c0_i32_0, %c0_i32_1 : i32, i32, i32, i32
  }
}

module attributes {stable_mosaic.version = 14 : i64} {
  func.func @_tc3_body(%arg0: i32, %arg1: memref<2x1x2048x128xf32, #tpu.memory_space<vmem>>, %arg2: memref<2x1x16x128xf32, #tpu.memory_space<vmem>>, %arg3: memref<1x256xf32, #tpu.memory_space<vmem>>, %arg4: memref<1x16x128xi32, #tpu.memory_space<vmem>>, %arg5: memref<256x12xf32, #tpu.memory_space<vmem>>, %arg6: memref<1x12xf32, #tpu.memory_space<vmem>>, %arg7: memref<64x12xf32, #tpu.memory_space<vmem>>, %arg8: memref<64x256xf32, #tpu.memory_space<vmem>>) attributes {dimension_semantics = [#tpu.dimension_semantics<arbitrary>], iteration_bounds = array<i64: 5>, scalar_prefetch = 0 : i64, scratch_operands = 1 : i64, tpu.core_type = #tpu.core_type<tc>, window_params = [{transform_indices = @transform_0, window_bounds = array<i64: 2, 1, 2048, 128>}, {transform_indices = @transform_1, window_bounds = array<i64: 2, 1, 16, 128>}, {pipeline_mode = #tpu.pipeline_mode<synchronous>, transform_indices = @transform_2, window_bounds = array<i64: 1, 256>}, {transform_indices = @transform_3, window_bounds = array<i64: 1, 16, 128>}, {pipeline_mode = #tpu.pipeline_mode<synchronous>, transform_indices = @transform_4, window_bounds = array<i64: 256, 12>}, {pipeline_mode = #tpu.pipeline_mode<synchronous>, transform_indices = @transform_5, window_bounds = array<i64: 1, 12>}, {pipeline_mode = #tpu.pipeline_mode<synchronous>, transform_indices = @transform_6, window_bounds = array<i64: 64, 12>}]} {
    %get3A = arith.constant 0 : index
    %get3A_0 = arith.constant 0 : index
    %get3A_1 = arith.constant 0 : index
    %get3A_2 = arith.constant 0 : index
    %get3A_3 = vector.load %arg2[%get3A, %get3A_0, %get3A_1, %get3A_2] : memref<2x1x16x128xf32, #tpu.memory_space<vmem>>, vector<1x1x16x128xf32>
    %get3A_4 = vector.shape_cast %get3A_3 : vector<1x1x16x128xf32> to vector<16x128xf32>
    %get3A_5 = arith.constant 1 : index
    %get3A_6 = arith.constant 0 : index
    %get3A_7 = arith.constant 0 : index
    %get3A_8 = arith.constant 0 : index
    %get3A_9 = vector.load %arg2[%get3A_5, %get3A_6, %get3A_7, %get3A_8] : memref<2x1x16x128xf32, #tpu.memory_space<vmem>>, vector<1x1x16x128xf32>
    %get3A_10 = vector.shape_cast %get3A_9 : vector<1x1x16x128xf32> to vector<16x128xf32>
    %add3A = arith.addf %get3A_4, %get3A_10 : vector<16x128xf32>
    %add3A_11 = arith.constant 1.000000e+00 : f32
    %add3A_12 = vector.broadcast %add3A_11 : f32 to vector<16x128xf32>
    %add3A_13 = arith.addf %add3A, %add3A_12 : vector<16x128xf32>
    %iota3A = tpu.iota {dimensions = array<i32: 0>} : vector<2048x16xi32>
    %jit3A = arith.constant 128 : i32
    %div3A = vector.broadcast %jit3A : i32 to vector<2048x16xi32>
    %div3A_14 = arith.divsi %iota3A, %div3A : vector<2048x16xi32>
    %sign3A = arith.constant 0 : i32
    %sign3A_15 = vector.broadcast %sign3A : i32 to vector<2048x16xi32>
    %sign3A_16 = arith.cmpi sgt, %iota3A, %sign3A_15 : vector<2048x16xi32>
    %sign3A_17 = arith.extui %sign3A_16 : vector<2048x16xi1> to vector<2048x16xi32>
    %sign3A_18 = arith.constant 0 : i32
    %sign3A_19 = vector.broadcast %sign3A_18 : i32 to vector<2048x16xi32>
    %sign3A_20 = arith.cmpi slt, %iota3A, %sign3A_19 : vector<2048x16xi32>
    %sign3A_21 = arith.extui %sign3A_20 : vector<2048x16xi1> to vector<2048x16xi32>
    %sign3A_22 = arith.subi %sign3A_17, %sign3A_21 : vector<2048x16xi32>
    %sign3A_23 = arith.constant 0 : i32
    %sign3A_24 = arith.cmpi sgt, %jit3A, %sign3A_23 : i32
    %sign3A_25 = arith.extui %sign3A_24 : i1 to i32
    %sign3A_26 = arith.constant 0 : i32
    %sign3A_27 = arith.cmpi slt, %jit3A, %sign3A_26 : i32
    %sign3A_28 = arith.extui %sign3A_27 : i1 to i32
    %sign3A_29 = arith.subi %sign3A_25, %sign3A_28 : i32
    %ne3A = vector.broadcast %sign3A_29 : i32 to vector<2048x16xi32>
    %ne3A_30 = arith.cmpi ne, %sign3A_22, %ne3A : vector<2048x16xi32>
    %rem3A = vector.broadcast %jit3A : i32 to vector<2048x16xi32>
    %rem3A_31 = arith.remsi %iota3A, %rem3A : vector<2048x16xi32>
    %ne3A_32 = arith.constant 0 : i32
    %ne3A_33 = vector.broadcast %ne3A_32 : i32 to vector<2048x16xi32>
    %ne3A_34 = arith.cmpi ne, %rem3A_31, %ne3A_33 : vector<2048x16xi32>
    %and3A = arith.andi %ne3A_30, %ne3A_34 : vector<2048x16xi1>
    %sub3A = arith.constant 1 : i32
    %sub3A_35 = vector.broadcast %sub3A : i32 to vector<2048x16xi32>
    %sub3A_36 = arith.subi %div3A_14, %sub3A_35 : vector<2048x16xi32>
    %select_n3A = arith.select %and3A, %sub3A_36, %div3A_14 : vector<2048x16xi1>, vector<2048x16xi32>
    %iota3A_37 = tpu.iota {dimensions = array<i32: 1>} : vector<2048x16xi32>
    %eq3A = arith.cmpi eq, %select_n3A, %iota3A_37 : vector<2048x16xi32>
    %convert_element_type3A = arith.extui %eq3A : vector<2048x16xi1> to vector<2048x16xi32>
    %convert_element_type3A_38 = arith.sitofp %convert_element_type3A : vector<2048x16xi32> to vector<2048x16xf32>
    %dot_general3A = arith.constant dense<0.000000e+00> : vector<2048x128xf32>
    %dot_general3A_39 = tpu.matmul %convert_element_type3A_38, %add3A_13, %dot_general3A {dimension_numbers = #tpu.dot_dimension_numbers<[1], [0], [0], [1], [0, 0, 1, 1], [], []>, transpose_lhs_hint = false} : vector<2048x16xf32>, vector<16x128xf32>, vector<2048x128xf32> -> vector<2048x128xf32>
    %iota3A_40 = tpu.iota {dimensions = array<i32: 0>} : vector<2048x128xi32>
    %jit3A_41 = arith.constant 128 : i32
    %eq3A_42 = arith.constant 0 : i32
    %eq3A_43 = arith.cmpi eq, %jit3A_41, %eq3A_42 : i32
    %jit3A_44 = arith.constant 1 : i32
    %select_n3A_45 = arith.select %eq3A_43, %jit3A_44, %jit3A_41 : i32
    %rem3A_46 = vector.broadcast %select_n3A_45 : i32 to vector<2048x128xi32>
    %rem3A_47 = arith.remsi %iota3A_40, %rem3A_46 : vector<2048x128xi32>
    %ne3A_48 = arith.constant 0 : i32
    %ne3A_49 = vector.broadcast %ne3A_48 : i32 to vector<2048x128xi32>
    %ne3A_50 = arith.cmpi ne, %rem3A_47, %ne3A_49 : vector<2048x128xi32>
    %lt3A = arith.constant 0 : i32
    %lt3A_51 = vector.broadcast %lt3A : i32 to vector<2048x128xi32>
    %lt3A_52 = arith.cmpi slt, %rem3A_47, %lt3A_51 : vector<2048x128xi32>
    %lt3A_53 = arith.constant 0 : i32
    %lt3A_54 = arith.cmpi slt, %select_n3A_45, %lt3A_53 : i32
    %ne3A_55 = vector.broadcast %lt3A_54 : i1 to vector<2048x128xi1>
    %ne3A_56 = vector.broadcast %ne3A_55 : vector<2048x128xi1> to vector<2048x128xi1>
    %ne3A_57 = arith.xori %lt3A_52, %ne3A_56 : vector<2048x128xi1>
    %and3A_58 = arith.andi %ne3A_57, %ne3A_50 : vector<2048x128xi1>
    %add3A_59 = vector.broadcast %select_n3A_45 : i32 to vector<2048x128xi32>
    %add3A_60 = arith.addi %rem3A_47, %add3A_59 : vector<2048x128xi32>
    %select_n3A_61 = arith.select %and3A_58, %add3A_60, %rem3A_47 : vector<2048x128xi1>, vector<2048x128xi32>
    %iota3A_62 = tpu.iota {dimensions = array<i32: 1>} : vector<2048x128xi32>
    %eq3A_63 = arith.cmpi eq, %select_n3A_61, %iota3A_62 : vector<2048x128xi32>
    %convert_element_type3A_64 = arith.extui %eq3A_63 : vector<2048x128xi1> to vector<2048x128xi32>
    %convert_element_type3A_65 = arith.sitofp %convert_element_type3A_64 : vector<2048x128xi32> to vector<2048x128xf32>
    %mul3A = arith.mulf %dot_general3A_39, %convert_element_type3A_65 : vector<2048x128xf32>
    %broadcast_in_dim3A = arith.constant 1.000000e+00 : f32
    %broadcast_in_dim3A_66 = vector.broadcast %broadcast_in_dim3A : f32 to vector<128x1xf32>
    %dot_general3A_67 = arith.constant dense<0.000000e+00> : vector<2048x1xf32>
    %dot_general3A_68 = tpu.matmul %mul3A, %broadcast_in_dim3A_66, %dot_general3A_67 {dimension_numbers = #tpu.dot_dimension_numbers<[1], [0], [0], [1], [0, 0, 1, 1], [], []>, transpose_lhs_hint = false} : vector<2048x128xf32>, vector<128x1xf32>, vector<2048x1xf32> -> vector<2048x1xf32>
    %iota3A_69 = tpu.iota {dimensions = array<i32: 0>} : vector<2048x1xi32>
    %mul3A_70 = arith.constant 2048 : i32
    %mul3A_71 = arith.muli %arg0, %mul3A_70 : i32
    %add3A_72 = vector.broadcast %mul3A_71 : i32 to vector<2048x1xi32>
    %add3A_73 = arith.addi %iota3A_69, %add3A_72 : vector<2048x1xi32>
    %lt3A_74 = arith.constant 10000 : i32
    %lt3A_75 = vector.broadcast %lt3A_74 : i32 to vector<2048x1xi32>
    %lt3A_76 = arith.cmpi slt, %add3A_73, %lt3A_75 : vector<2048x1xi32>
    %rsqrt3A = math.rsqrt %dot_general3A_68 : vector<2048x1xf32>
    %jit3A_77 = arith.constant 0.000000e+00 : f32
    %broadcast_in_dim3A_78 = vector.broadcast %jit3A_77 : f32 to vector<2048x1xf32>
    %select_n3A_79 = arith.select %lt3A_76, %rsqrt3A, %broadcast_in_dim3A_78 : vector<2048x1xi1>, vector<2048x1xf32>
    %get3A_80 = arith.constant 0 : index
    %get3A_81 = arith.constant 0 : index
    %get3A_82 = arith.constant 0 : index
    %get3A_83 = arith.constant 0 : index
    %get3A_84 = vector.load %arg1[%get3A_80, %get3A_81, %get3A_82, %get3A_83] : memref<2x1x2048x128xf32, #tpu.memory_space<vmem>>, vector<1x1x2048x128xf32>
    %get3A_85 = vector.shape_cast %get3A_84 : vector<1x1x2048x128xf32> to vector<2048x128xf32>
    %get3A_86 = arith.constant 1 : index
    %get3A_87 = arith.constant 0 : index
    %get3A_88 = arith.constant 0 : index
    %get3A_89 = arith.constant 0 : index
    %get3A_90 = vector.load %arg1[%get3A_86, %get3A_87, %get3A_88, %get3A_89] : memref<2x1x2048x128xf32, #tpu.memory_space<vmem>>, vector<1x1x2048x128xf32>
    %get3A_91 = vector.shape_cast %get3A_90 : vector<1x1x2048x128xf32> to vector<2048x128xf32>
    %concatenate3A = tpu.concatenate %get3A_85, %get3A_91 in 1 : vector<2048x128xf32>, vector<2048x128xf32> -> vector<2048x256xf32>
    %mul3A_92 = vector.broadcast %select_n3A_79 : vector<2048x1xf32> to vector<2048x256xf32>
    %mul3A_93 = arith.mulf %concatenate3A, %mul3A_92 : vector<2048x256xf32>
    %get3A_94 = arith.constant 0 : index
    %get3A_95 = arith.constant 0 : index
    %get3A_96 = vector.load %arg3[%get3A_94, %get3A_95] : memref<1x256xf32, #tpu.memory_space<vmem>>, vector<1x256xf32>
    %add3A_97 = vector.broadcast %get3A_96 : vector<1x256xf32> to vector<2048x256xf32>
    %add3A_98 = arith.addf %mul3A_93, %add3A_97 : vector<2048x256xf32>
    %max3A = arith.constant 0.000000e+00 : f32
    %max3A_99 = vector.broadcast %max3A : f32 to vector<2048x256xf32>
    %max3A_100 = arith.maximumf %add3A_98, %max3A_99 : vector<2048x256xf32>
    %get3A_101 = arith.constant 0 : index
    %get3A_102 = arith.constant 0 : index
    %get3A_103 = arith.constant 0 : index
    %get3A_104 = vector.load %arg4[%get3A_101, %get3A_102, %get3A_103] : memref<1x16x128xi32, #tpu.memory_space<vmem>>, vector<1x16x128xi32>
    %get3A_105 = vector.shape_cast %get3A_104 : vector<1x16x128xi32> to vector<16x128xi32>
    %convert_element_type3A_106 = arith.sitofp %get3A_105 : vector<16x128xi32> to vector<16x128xf32>
    %iota3A_107 = tpu.iota {dimensions = array<i32: 0>} : vector<2048x16xi32>
    %jit3A_108 = arith.constant 128 : i32
    %div3A_109 = vector.broadcast %jit3A_108 : i32 to vector<2048x16xi32>
    %div3A_110 = arith.divsi %iota3A_107, %div3A_109 : vector<2048x16xi32>
    %sign3A_111 = arith.constant 0 : i32
    %sign3A_112 = vector.broadcast %sign3A_111 : i32 to vector<2048x16xi32>
    %sign3A_113 = arith.cmpi sgt, %iota3A_107, %sign3A_112 : vector<2048x16xi32>
    %sign3A_114 = arith.extui %sign3A_113 : vector<2048x16xi1> to vector<2048x16xi32>
    %sign3A_115 = arith.constant 0 : i32
    %sign3A_116 = vector.broadcast %sign3A_115 : i32 to vector<2048x16xi32>
    %sign3A_117 = arith.cmpi slt, %iota3A_107, %sign3A_116 : vector<2048x16xi32>
    %sign3A_118 = arith.extui %sign3A_117 : vector<2048x16xi1> to vector<2048x16xi32>
    %sign3A_119 = arith.subi %sign3A_114, %sign3A_118 : vector<2048x16xi32>
    %sign3A_120 = arith.constant 0 : i32
    %sign3A_121 = arith.cmpi sgt, %jit3A_108, %sign3A_120 : i32
    %sign3A_122 = arith.extui %sign3A_121 : i1 to i32
    %sign3A_123 = arith.constant 0 : i32
    %sign3A_124 = arith.cmpi slt, %jit3A_108, %sign3A_123 : i32
    %sign3A_125 = arith.extui %sign3A_124 : i1 to i32
    %sign3A_126 = arith.subi %sign3A_122, %sign3A_125 : i32
    %ne3A_127 = vector.broadcast %sign3A_126 : i32 to vector<2048x16xi32>
    %ne3A_128 = arith.cmpi ne, %sign3A_119, %ne3A_127 : vector<2048x16xi32>
    %rem3A_129 = vector.broadcast %jit3A_108 : i32 to vector<2048x16xi32>
    %rem3A_130 = arith.remsi %iota3A_107, %rem3A_129 : vector<2048x16xi32>
    %ne3A_131 = arith.constant 0 : i32
    %ne3A_132 = vector.broadcast %ne3A_131 : i32 to vector<2048x16xi32>
    %ne3A_133 = arith.cmpi ne, %rem3A_130, %ne3A_132 : vector<2048x16xi32>
    %and3A_134 = arith.andi %ne3A_128, %ne3A_133 : vector<2048x16xi1>
    %sub3A_135 = arith.constant 1 : i32
    %sub3A_136 = vector.broadcast %sub3A_135 : i32 to vector<2048x16xi32>
    %sub3A_137 = arith.subi %div3A_110, %sub3A_136 : vector<2048x16xi32>
    %select_n3A_138 = arith.select %and3A_134, %sub3A_137, %div3A_110 : vector<2048x16xi1>, vector<2048x16xi32>
    %iota3A_139 = tpu.iota {dimensions = array<i32: 1>} : vector<2048x16xi32>
    %eq3A_140 = arith.cmpi eq, %select_n3A_138, %iota3A_139 : vector<2048x16xi32>
    %convert_element_type3A_141 = arith.extui %eq3A_140 : vector<2048x16xi1> to vector<2048x16xi32>
    %convert_element_type3A_142 = arith.sitofp %convert_element_type3A_141 : vector<2048x16xi32> to vector<2048x16xf32>
    %dot_general3A_143 = arith.constant dense<0.000000e+00> : vector<2048x128xf32>
    %dot_general3A_144 = tpu.matmul %convert_element_type3A_142, %convert_element_type3A_106, %dot_general3A_143 {dimension_numbers = #tpu.dot_dimension_numbers<[1], [0], [0], [1], [0, 0, 1, 1], [], []>, transpose_lhs_hint = false} : vector<2048x16xf32>, vector<16x128xf32>, vector<2048x128xf32> -> vector<2048x128xf32>
    %iota3A_145 = tpu.iota {dimensions = array<i32: 0>} : vector<2048x128xi32>
    %jit3A_146 = arith.constant 128 : i32
    %eq3A_147 = arith.constant 0 : i32
    %eq3A_148 = arith.cmpi eq, %jit3A_146, %eq3A_147 : i32
    %jit3A_149 = arith.constant 1 : i32
    %select_n3A_150 = arith.select %eq3A_148, %jit3A_149, %jit3A_146 : i32
    %rem3A_151 = vector.broadcast %select_n3A_150 : i32 to vector<2048x128xi32>
    %rem3A_152 = arith.remsi %iota3A_145, %rem3A_151 : vector<2048x128xi32>
    %ne3A_153 = arith.constant 0 : i32
    %ne3A_154 = vector.broadcast %ne3A_153 : i32 to vector<2048x128xi32>
    %ne3A_155 = arith.cmpi ne, %rem3A_152, %ne3A_154 : vector<2048x128xi32>
    %lt3A_156 = arith.constant 0 : i32
    %lt3A_157 = vector.broadcast %lt3A_156 : i32 to vector<2048x128xi32>
    %lt3A_158 = arith.cmpi slt, %rem3A_152, %lt3A_157 : vector<2048x128xi32>
    %lt3A_159 = arith.constant 0 : i32
    %lt3A_160 = arith.cmpi slt, %select_n3A_150, %lt3A_159 : i32
    %ne3A_161 = vector.broadcast %lt3A_160 : i1 to vector<2048x128xi1>
    %ne3A_162 = vector.broadcast %ne3A_161 : vector<2048x128xi1> to vector<2048x128xi1>
    %ne3A_163 = arith.xori %lt3A_158, %ne3A_162 : vector<2048x128xi1>
    %and3A_164 = arith.andi %ne3A_163, %ne3A_155 : vector<2048x128xi1>
    %add3A_165 = vector.broadcast %select_n3A_150 : i32 to vector<2048x128xi32>
    %add3A_166 = arith.addi %rem3A_152, %add3A_165 : vector<2048x128xi32>
    %select_n3A_167 = arith.select %and3A_164, %add3A_166, %rem3A_152 : vector<2048x128xi1>, vector<2048x128xi32>
    %iota3A_168 = tpu.iota {dimensions = array<i32: 1>} : vector<2048x128xi32>
    %eq3A_169 = arith.cmpi eq, %select_n3A_167, %iota3A_168 : vector<2048x128xi32>
    %convert_element_type3A_170 = arith.extui %eq3A_169 : vector<2048x128xi1> to vector<2048x128xi32>
    %convert_element_type3A_171 = arith.sitofp %convert_element_type3A_170 : vector<2048x128xi32> to vector<2048x128xf32>
    %mul3A_172 = arith.mulf %dot_general3A_144, %convert_element_type3A_171 : vector<2048x128xf32>
    %broadcast_in_dim3A_173 = arith.constant 1.000000e+00 : f32
    %broadcast_in_dim3A_174 = vector.broadcast %broadcast_in_dim3A_173 : f32 to vector<128x1xf32>
    %dot_general3A_175 = arith.constant dense<0.000000e+00> : vector<2048x1xf32>
    %dot_general3A_176 = tpu.matmul %mul3A_172, %broadcast_in_dim3A_174, %dot_general3A_175 {dimension_numbers = #tpu.dot_dimension_numbers<[1], [0], [0], [1], [0, 0, 1, 1], [], []>, transpose_lhs_hint = false} : vector<2048x128xf32>, vector<128x1xf32>, vector<2048x1xf32> -> vector<2048x1xf32>
    %iota3A_177 = tpu.iota {dimensions = array<i32: 1>} : vector<2048x64xi32>
    %convert_element_type3A_178 = arith.sitofp %iota3A_177 : vector<2048x64xi32> to vector<2048x64xf32>
    %eq3A_179 = vector.broadcast %dot_general3A_176 : vector<2048x1xf32> to vector<2048x64xf32>
    %eq3A_180 = arith.cmpf oeq, %eq3A_179, %convert_element_type3A_178 : vector<2048x64xf32>
    %convert_element_type3A_181 = arith.extui %eq3A_180 : vector<2048x64xi1> to vector<2048x64xi32>
    %convert_element_type3A_182 = arith.sitofp %convert_element_type3A_181 : vector<2048x64xi32> to vector<2048x64xf32>
    %dot_general3A_183 = arith.constant dense<0.000000e+00> : vector<64x256xf32>
    %dot_general3A_184 = tpu.matmul %convert_element_type3A_182, %max3A_100, %dot_general3A_183 {dimension_numbers = #tpu.dot_dimension_numbers<[0], [0], [1], [1], [0, 1, 1, 1], [], []>, transpose_lhs_hint = false} : vector<2048x64xf32>, vector<2048x256xf32>, vector<64x256xf32> -> vector<64x256xf32>
    %eq3A_185 = arith.constant 0 : i32
    %eq3A_186 = arith.cmpi eq, %arg0, %eq3A_185 : i32
    %convert_element_type3A_187 = arith.extui %eq3A_186 : i1 to i32
    %cond3A = arith.constant 0 : i32
    %cond3A_188 = arith.cmpi ne, %convert_element_type3A_187, %cond3A : i32
    scf.if %cond3A_188 {
      %broadcast_in_dim3A_200 = arith.constant 0.000000e+00 : f32
      %broadcast_in_dim3A_201 = vector.broadcast %broadcast_in_dim3A_200 : f32 to vector<64x256xf32>
      %swap3A_202 = arith.constant 0 : index
      %swap3A_203 = arith.constant 0 : index
      %swap3A_204 = vector.load %arg8[%swap3A_202, %swap3A_203] : memref<64x256xf32, #tpu.memory_space<vmem>>, vector<64x256xf32>
      tpu.vector_store %arg8[%swap3A_202, %swap3A_203], %broadcast_in_dim3A_201 {strides = array<i32>} : memref<64x256xf32, #tpu.memory_space<vmem>>, vector<64x256xf32>,
    } else {
    }
    %get3A_189 = arith.constant 0 : index
    %get3A_190 = arith.constant 0 : index
    %get3A_191 = vector.load %arg8[%get3A_189, %get3A_190] : memref<64x256xf32, #tpu.memory_space<vmem>>, vector<64x256xf32>
    %add3A_192 = arith.addf %get3A_191, %dot_general3A_184 : vector<64x256xf32>
    %swap3A = arith.constant 0 : index
    %swap3A_193 = arith.constant 0 : index
    %swap3A_194 = vector.load %arg8[%swap3A, %swap3A_193] : memref<64x256xf32, #tpu.memory_space<vmem>>, vector<64x256xf32>
    tpu.vector_store %arg8[%swap3A, %swap3A_193], %add3A_192 {strides = array<i32>} : memref<64x256xf32, #tpu.memory_space<vmem>>, vector<64x256xf32>,
    %eq3A_195 = arith.constant 4 : i32
    %eq3A_196 = arith.cmpi eq, %arg0, %eq3A_195 : i32
    %convert_element_type3A_197 = arith.extui %eq3A_196 : i1 to i32
    %cond3A_198 = arith.constant 0 : i32
    %cond3A_199 = arith.cmpi ne, %convert_element_type3A_197, %cond3A_198 : i32
    scf.if %cond3A_199 {
      %get3A_200 = arith.constant 0 : index
      %get3A_201 = arith.constant 0 : index
      %get3A_202 = vector.load %arg8[%get3A_200, %get3A_201] : memref<64x256xf32, #tpu.memory_space<vmem>>, vector<64x256xf32>
      %get3A_203 = arith.constant 0 : index
      %get3A_204 = arith.constant 0 : index
      %get3A_205 = vector.load %arg5[%get3A_203, %get3A_204] : memref<256x12xf32, #tpu.memory_space<vmem>>, vector<256x12xf32>
      %dot_general3A_206 = arith.constant dense<0.000000e+00> : vector<64x12xf32>
      %dot_general3A_207 = tpu.matmul %get3A_202, %get3A_205, %dot_general3A_206 {dimension_numbers = #tpu.dot_dimension_numbers<[1], [0], [0], [1], [0, 0, 1, 1], [], []>, transpose_lhs_hint = false} : vector<64x256xf32>, vector<256x12xf32>, vector<64x12xf32> -> vector<64x12xf32>
      %get3A_208 = arith.constant 0 : index
      %get3A_209 = arith.constant 0 : index
      %get3A_210 = vector.load %arg6[%get3A_208, %get3A_209] : memref<1x12xf32, #tpu.memory_space<vmem>>, vector<1x12xf32>
      %add3A_211 = vector.broadcast %get3A_210 : vector<1x12xf32> to vector<64x12xf32>
      %add3A_212 = arith.addf %dot_general3A_207, %add3A_211 : vector<64x12xf32>
      %swap3A_213 = arith.constant 0 : index
      %swap3A_214 = arith.constant 0 : index
      %swap3A_215 = vector.load %arg7[%swap3A_213, %swap3A_214] : memref<64x12xf32, #tpu.memory_space<vmem>>, vector<64x12xf32>
      tpu.vector_store %arg7[%swap3A_213, %swap3A_214], %add3A_212 {strides = array<i32>} : memref<64x12xf32, #tpu.memory_space<vmem>>, vector<64x12xf32>,
    } else {
    }
    return
  }
  func.func @transform_0(%arg0: i32) -> (i32, i32, i32, i32) {
    %c0_i32 = arith.constant 0 : i32
    %c0_i32_0 = arith.constant 0 : i32
    %c0_i32_1 = arith.constant 0 : i32
    %c0_i32_2 = arith.constant 0 : i32
    return %c0_i32, %arg0, %c0_i32_0, %c0_i32_1 : i32, i32, i32, i32
  }
  func.func @transform_1(%arg0: i32) -> (i32, i32, i32, i32) {
    %c0_i32 = arith.constant 0 : i32
    %c0_i32_0 = arith.constant 0 : i32
    %c0_i32_1 = arith.constant 0 : i32
    %c0_i32_2 = arith.constant 0 : i32
    return %c0_i32, %arg0, %c0_i32_0, %c0_i32_1 : i32, i32, i32, i32
  }
  func.func @transform_2(%arg0: i32) -> (i32, i32) {
    %c0_i32 = arith.constant 0 : i32
    %c0_i32_0 = arith.constant 0 : i32
    %c0_i32_1 = arith.constant 0 : i32
    return %c0_i32, %c0_i32_0 : i32, i32
  }
  func.func @transform_3(%arg0: i32) -> (i32, i32, i32) {
    %c0_i32 = arith.constant 0 : i32
    %c0_i32_0 = arith.constant 0 : i32
    %c0_i32_1 = arith.constant 0 : i32
    return %arg0, %c0_i32, %c0_i32_0 : i32, i32, i32
  }
  func.func @transform_4(%arg0: i32) -> (i32, i32) {
    %c0_i32 = arith.constant 0 : i32
    %c0_i32_0 = arith.constant 0 : i32
    %c0_i32_1 = arith.constant 0 : i32
    return %c0_i32, %c0_i32_0 : i32, i32
  }
  func.func @transform_5(%arg0: i32) -> (i32, i32) {
    %c0_i32 = arith.constant 0 : i32
    %c0_i32_0 = arith.constant 0 : i32
    %c0_i32_1 = arith.constant 0 : i32
    return %c0_i32, %c0_i32_0 : i32, i32
  }
  func.func @transform_6(%arg0: i32) -> (i32, i32) {
    %c0_i32 = arith.constant 0 : i32
    %c0_i32_0 = arith.constant 0 : i32
    %c0_i32_1 = arith.constant 0 : i32
    return %c0_i32, %c0_i32_0 : i32, i32
  }
}

</mosaic_0001>

<sc_bundles>
// kernel: kernel.11.cloned.1.call-start
scs
__scs_entry_jumppad:
0x0: {  	(pc) =	sbr.rel $0x88, $3  }
0x1: {  	(tag) =	ssettag $0x0;
	lr =	simm.s32 $0x1  }
0x2: {  	[smem:$0x3F98] =	sst lr;
	_ =	strace $0xD0000000  }
0x3: {  	_ = 	snop  }
0x4: {  	_ = 	snop  }
0x5: {  	_ = 	snop  }
0x6: {  	_ = 	snop  }
0x7: {  	_ = 	snop  }
__scs_overlays_trampoline_lowered:
0x8: {  	[smem:$0x3FA7] =	sst s0  }
0x9: {  	[smem:$0x3FA8] =	sst s1  }
0xa: {  	[smem:$0x3FA9] =	sst s2  }
0xb: {  	[smem:$0x3FAA] =	sst s3  }
0xc: {  	[smem:$0x3FAB] =	sst s4  }
0xd: {  	[smem:$0x3FAC] =	sst s5  }
0xe: {  	[smem:$0x3FAD] =	sst s6  }
0xf: {  	[smem:$0x3FAE] =	sst s7  }
0x10: {  	[smem:$0x3FAF] =	sst s8  }
0x11: {  	[smem:$0x3FB0] =	sst s9;
	s0 =	simm.s32 @!p0 $0x0  }
0x12: {  	s1 =	sld [smem:$0x3F96];
	s0 =	simm.s32 @p0 $0x1  }
0x13: {  	[smem:$0x3FB1] =	sst s0;
	s0 =	simm.s32 @!p1 $0x0  }
0x14: {  	s2 =	sld [smem:$0x3F95];
	s0 =	simm.s32 @p1 $0x1  }
0x15: {  	[smem:$0x3FB2] =	sst s0;
	s0 =	simm.s32 @!p2 $0x0  }
0x16: {  	s3 =	sld [smem:$0x3FDB];
	s0 =	simm.s32 @p2 $0x1  }
0x17: {  	s4 =	simm.s32 $0x1BF5;
	[smem:$0x3FB4] =	sst s0  }
0x18: {  	s0 =	sld [smem:$0x3F97];
	_ =	swait.ge [sflag:s4], $0x0  }
0x19: {  	s7 =	sld [smem:$0x3F98]  }
0x1a: {  	s8 =	sadd.s32 $0xFFFFE003, lr  }
0x1b: {  	s9 =	sadd.s32 $0xFFFFFEF7, lr;
	s5 =	simm.s32 $0xFFFFFFFF;
	p2 =	slt.u32 s8, $0xFFFFF086  }
0x1c: {  	p1 =	slt.u32 s9, $0xF7A;
	s5 =	simm.s32 @!p2 $0x0  }
0x1d: {  	s5 =	simm.s32 @p1 $0x1;
	p0 =	seq.s32 s7, s2  }
0x1e: {  	s7 =	smul.u32 @!p0 $0xF7A, s2;
	p2 =	seq.s32 @!p0 s5, $0x0  }
0x1f: {  	s9 =	smul.u32 $0xF7A, s1;
	s8 =	simm.s32 @!p0 $0x1BF5;
	p2 =	por !p2, p0  }
0x20: {  	[sflag:s8] =	ssyncset.s32 @!p0 $0xFFFFF086;
	s6 =	sadd.s32 @!p0 s3, s7;
	s7 =	simm.s32 @!p0 $0x108  }
0x21: {  	s3 =	sadd.s32 s3, s9;
	s6 =	sadd.s32 @!p0 $0x88, s6;
	s7 =	simm.s32 @p2 $0x1082  }
0x22: {  	[simem:s7], [sflag:s8] =	dma.local @!p0 [hbm:s6], $0xF7A  }
0x23: {  	s9 =	sor.u32 $0xD0000000, s2;
	s6 =	simm.s32 $0x108;
	_ =	swait.ge @!p0 [sflag:s8], $0x0  }
0x24: {  	s3 =	sadd.s32 $0x88, s3;
	s6 =	simm.s32 @!p1 $0x1082;
	[sflag:s4] =	ssyncset.s32 $0xFFFFF086  }
0x25: {  	[simem:s6], [sflag:s4] =	dma.local [hbm:s3], $0xF7A  }
0x26: {  	[smem:$0x3F98] =	sst s1;
	(tag) =	ssettag s2;
	_ =	strace s9  }
0x27: {  	s1 =	sld [smem:$0x3FA8]  }
0x28: {  	s2 =	sld [smem:$0x3FA9]  }
0x29: {  	s4 =	sld [smem:$0x3FAB]  }
0x2a: {  	p0 =	seq.s32 s5, $0x0;
	s5 =	sld [smem:$0x3FAC]  }
0x2b: {  	s6 =	sld [smem:$0x3FAD]  }
0x2c: {  	s7 =	sld [smem:$0x3FAE]  }
0x2d: {  	s3 =	simm.s32 $0x108;
	s8 =	sld [smem:$0x3FAF]  }
0x2e: {  	s3 =	simm.s32 @!p0 $0x1082;
	s9 =	sld [smem:$0x3FB0]  }
0x2f: {  	lr =	sadd.s32 s0, s3;
	s0 =	sld [smem:$0x3FA7]  }
0x30: {  	s3 =	sld [smem:$0x3FAA]  }
0x31: {  	[smem:$0x3FB3] =	sst s10  }
0x32: {  	s10 =	sld [smem:$0x3FB1];
	_ =	sdelay $0x3  }
0x33: {  	p0 =	seq.s32 s10, $0x1;
	s10 =	sld [smem:$0x3FB3];
	_ =	sdelay $0x3  }
0x34: {  	[smem:$0x3FB3] =	sst s10  }
0x35: {  	s10 =	sld [smem:$0x3FB2];
	_ =	sdelay $0x3  }
0x36: {  	p1 =	seq.s32 s10, $0x1;
	s10 =	sld [smem:$0x3FB3];
	_ =	sdelay $0x3  }
0x37: {  	[smem:$0x3FB3] =	sst s10  }
0x38: {  	s10 =	sld [smem:$0x3FB4]  }
0x39: {  	_ = 	snop;
	(pc) =	sbr.ind lr, $3  }
0x3a: {  	_ = 	snop  }
0x3b: {  	_ = 	snop  }
0x3c: {  	p2 =	seq.s32 s10, $0x1;
	s10 =	sld [smem:$0x3FB3]  }
0x3d: {  	_ =	shalt  }
0x3e: {  	_ =	shalt  }
0x3f: {  	_ =	shalt  }
0x40: {  	_ =	shalt  }
0x41: {  	_ =	shalt  }
0x42: {  	_ =	shalt  }
0x43: {  	_ =	shalt  }
0x44: {  	_ =	shalt  }
0x45: {  	_ =	shalt  }
0x46: {  	_ =	shalt  }
0x47: {  	_ =	shalt  }
0x48: {  	_ =	shalt  }
0x49: {  	_ =	shalt  }
0x4a: {  	_ =	shalt  }
0x4b: {  	_ =	shalt  }
0x4c: {  	_ =	shalt  }
0x4d: {  	_ =	shalt  }
0x4e: {  	_ =	shalt  }
0x4f: {  	_ =	shalt  }
0x50: {  	_ =	shalt  }
0x51: {  	_ =	shalt  }
0x52: {  	_ =	shalt  }
0x53: {  	_ =	shalt  }
0x54: {  	_ =	shalt  }
0x55: {  	_ =	shalt  }
0x56: {  	_ =	shalt  }
0x57: {  	_ =	shalt  }
0x58: {  	_ =	shalt  }
0x59: {  	_ =	shalt  }
0x5a: {  	_ =	shalt  }
0x5b: {  	_ =	shalt  }
0x5c: {  	_ =	shalt  }
0x5d: {  	_ =	shalt  }
0x5e: {  	_ =	shalt  }
0x5f: {  	_ =	shalt  }
0x60: {  	_ =	shalt  }
0x61: {  	_ =	shalt  }
0x62: {  	_ =	shalt  }
0x63: {  	_ =	shalt  }
0x64: {  	_ =	shalt  }
0x65: {  	_ =	shalt  }
0x66: {  	_ =	shalt  }
0x67: {  	_ =	shalt  }
0x68: {  	_ =	shalt  }
0x69: {  	_ =	shalt  }
0x6a: {  	_ =	shalt  }
0x6b: {  	_ =	shalt  }
0x6c: {  	_ =	shalt  }
0x6d: {  	_ =	shalt  }
0x6e: {  	_ =	shalt  }
0x6f: {  	_ =	shalt  }
0x70: {  	_ =	shalt  }
0x71: {  	_ =	shalt  }
0x72: {  	_ =	shalt  }
0x73: {  	_ =	shalt  }
0x74: {  	_ =	shalt  }
0x75: {  	_ =	shalt  }
0x76: {  	_ =	shalt  }
0x77: {  	_ =	shalt  }
0x78: {  	_ =	shalt  }
0x79: {  	_ =	shalt  }
0x7a: {  	_ =	shalt  }
0x7b: {  	_ =	shalt  }
0x7c: {  	_ =	shalt  }
0x7d: {  	_ =	shalt  }
0x7e: {  	_ =	shalt  }
0x7f: {  	_ =	shalt  }
0x80: {  	_ =	shalt  }
0x81: {  	_ =	shalt  }
0x82: {  	_ =	shalt  }
0x83: {  	_ =	shalt  }
0x84: {  	_ =	shalt  }
0x85: {  	_ =	shalt  }
0x86: {  	_ =	shalt  }
0x87: {  	_ =	shalt  }
.Lfunc_end0:
.L_simem_size_0:
called_computation.1_lowered:
.L_overlay_start_0:
0x88: {  	s2 =	sld [smem:$0x3FD9]  }
0x89: {  	s3 =	sld [smem:$0x3FFE];
	_ =	sdelay $0x1  }
0x8a: {  	s1 =	srdreg.scid  }
0x8b: {  	s0 =	sand.u32 $0x1, s1  }
0x8c: {  	s16 =	sshll.u32 s0, $0xA;
	s2 =	sadd.s32 s3, s2  }
0x8d: {  	s2 =	sadd.s32 s2, s16  }
0x8e: {  	[smem:$0x3FBF] =	sst s2  }
0x8f: {  	_ = 	snop  }
0x90: {  	(tm) =	ssettm $0x1  }
0x91: {  	s17 =	sld [smem:$0x3FFB];
	_ =	sdelay $0x3  }
0x92: {  	_ =	strace s17  }
0x93: {  	s2 =	sld [smem:$0x3FFC];
	_ =	sdelay $0x3  }
0x94: {  	_ =	strace s2  }
0x95: {  	s2 =	sld [smem:$0x3FFD];
	_ =	sdelay $0x3  }
0x96: {  	_ =	strace s2  }
0x97: {  	_ =	strace $0x8FFFFFFF  }
0x98: {  	s18 =	sld [smem:$0x3FDB];
	_ =	sdelay $0x1  }
0x99: {  	s19 =	simm.s32 $_scs_section_size  }
0x9a: {  	s4 =	simm.s32 $_size__tile_overlayer_lowered;
	s5 =	simm.s32 $_tile_overlayer_lowered  }
0x9b: {  	s22 =	simm.s32 $0x1BFF;
	s21 =	sshll.u32 s5, $0x1;
	s2 =	sadd.s32 s19, s18  }
0x9c: {  	s6 =	simm.s32 $0x0;
	s20 =	sshll.u32 s4, $0x1;
	s4 =	sadd.s32 s21, s2  }
0x9d: {  	[timem:s6], [sflag:s22] =	dma.local [hbm:s4], s20  }
0x9e: {  	_ =	swait.ge [sflag:s22], s20  }
0x9f: {  	s3 =	ssub.s32 $0x0, s20;
	[sflag:s22] =	ssyncset.done $0x0  }
0xa0: {  	[sflag:s22] =	ssyncadd.s32 s3;
	_ =	sdelay $0x1  }
0xa1: {  	s23 =	simm.s32 $0x1B8B  }
0xa2: {  	_ =	swait.ge [sflag:s23], $0x1  }
0xa3: {  	[sflag:s23] =	ssyncset.done $0x0  }
0xa4: {  	s25 =	simm.s32 $0x1B8E;
	s24 =	sld [smem:$0x3FFE];
	[sflag:s23] =	ssyncadd.s32 $0xFFFFFFFF  }
0xa5: {  	s26 =	simm.s32 $execute0_lowered;
	[smem:$0x3FD2] =	sst s25  }
0xa6: {  	s4 =	sshll.u32 s26, $0x1;
	_ =	strace $0x80000049;
	[dreg:$0x1] =	wrdreg $0xFFFFFFFF  }
0xa7: {  	s28 =	simm.s32 $_size_execute0_lowered;
	s2 =	sadd.s32 s2, s4;
	[dreg:$0x0] =	wrdreg $0x0  }
0xa8: {  	s4 =	sshll.u32 s28, $0x1;
	[dreg:$0x2] =	wrdreg s2  }
0xa9: {  	[dreg:$0x3] =	wrdreg s4  }
0xaa: {  	[dreg:$0x4] =	wrdreg $0xC0  }
0xab: {  	_ =	task [dreg:s6], $0x5FFFF  }
0xac: {  	[dreg:$0x1] =	wrdreg $0xFFFFFFFF  }
0xad: {  	[dreg:$0x0] =	wrdreg $0x60  }
0xae: {  	[dreg:$0x2] =	wrdreg s24  }
0xaf: {  	[dreg:$0x3] =	wrdreg $0xA8000  }
0xb0: {  	[dreg:$0x4] =	wrdreg $0x9  }
0xb1: {  	_ =	task.clear_ibuf [dreg:s6], $0x5FFFF;
	_ =	strace $0x90000049  }
0xb2: {  	s29 =	simm.s32 $0x9;
	_ =	strace $0x8000004B  }
0xb3: {  	_ =	swait.ge [sflag:s29], $0x1  }
0xb4: {  	[sflag:s29] =	ssyncadd.s32 $0xFFFFFFFF  }
0xb5: {  	_ =	strace $0x9000004B  }
0xb6: {  	_ =	sfence  }
0xb7: {  	s30 =	sld [smem:$0x0];
	_ =	sdelay $0x2  }
0xb8: {  	s31 =	sshll.u32 s1, $0xD;
	s1 =	sshrl.u32 s1, $0x2  }
0xb9: {  	s3 =	sand.u32 $0x4000, s31;
	s1 =	sadd.s32 s1, s30  }
0xba: {  	s0 =	sor.u32 s3, s0;
	s1 =	sshll.u32 s1, $0x11  }
0xbb: {  	s0 =	sor.u32 s1, s0  }
0xbc: {  	s0 =	sadd.s32 $0x8F2B, s0  }
0xbd: {  	[sflag:s0] =	ssyncadd.remote.s32 $0x1  }
0xbe: {  	_ =	sfence.sel $0xFFFF  }
0xbf: {  	[dreg:$0x0] =	wrdreg $0xFFFFFFFF;
	(pc) =	sbr.abs _section_cstart, $3  }
0xc0: {  	[dreg:$0x1] =	wrdreg $0xFFFFFFFF  }
0xc1: {  	_ =	task.clear_ibuf [dreg:s6], $0x2FFFF;
	_ =	strace $0x9FFFFFFF  }
0xc2: {  	(tm) =	ssettm $0x7FFFFFFF  }
0xc3: {  	_ =	shalt  }
tec
execute0_lowered:
.L_overlay_start_1:
0x0: {  	(tag) =	ssettag $0x1  }
0x1: {  	s7 =	rddreg [dreg:$0x0]  }
0x2: {  	s1 =	rddreg [dreg:$0x1]  }
0x3: {  	s2 =	srdreg.scid;
	s0 =	rddreg [dreg:$0x2];
	s3 =	simm.s32 $0x0  }
0x4: {  	s15 =	simm.s32 $0x80;
	s16 =	simm.s32 $0x2800;
	s17 =	simm.s32 $0x6800  }
0x5: {  	s18 =	simm.s32 $0x1;
	s19 =	simm.s32 $0x2;
	s20 =	simm.s32 $0x1380  }
0x6: {  	s21 =	simm.s32 $0x2700;
	s14 =	sand.u32 $0x1, s2;
	s2 =	stileid.u32  }
0x7: {  	s22 =	simm.s32 $0x2780;
	[smem:$0x7FF] =	sst s3;
	s6 =	smul.u32 $0x2800, s14  }
0x8: {  	s4 =	sadd.s32 $0x16600, s7;
	s5 =	sadd.s32 $0x2600, s7;
	s8 =	smul.u32 $0x280, s2  }
0x9: {  	_ =	strace $0x8000004A;
	s9 =	ssub.s32 $0x2, s14;
	s10 =	smul.u32 $0x50000, s2  }
0xa: {  	s31 =	sshll.u32 s2, $0x6;
	p0 =	seq.s32 s14, $0x0;
	s29 =	sshrl.u32 s9, $0x1  }
0xb: {  	s14 =	simm.s32 $0x1400;
	s6 =	sadd.s32 s8, s6;
	s12 =	ssub.s32 s9, s29  }
0xc: {  	s30 =	sshrl.u32 s10, $0x2;
	s9 =	smul.u32 $0x5000, s2;
	s8 =	sshll.u32 s6, $0x4  }
0xd: {  	s6 =	sadd.s32 $0xC600, s7;
	s13 =	sadd.s32 s30, s1;
	s11 =	sadd.s32 s8, s7  }
0xe: {  	s7 =	sadd.s32 s4, s8;
	s8 =	sor.u32 $0x1C03, s31;
	s10 =	sadd.s32 $0x66600, s11  }
0xf: {  	s11 =	smax.u32 s12, $0x1;
	s12 =	sshrl.u32 s13, $0x3;
	s13 =	simm.s32 $0x3  }
.LBB2_1:
0x10: {  	[spmem:s12], [sflag:s8] =	dma.local [hbm:s7], $0x2800  }
0x11: {  	_ =	swait.ge [sflag:s13], $0x2800  }
0x12: {  	[sflag:s13] =	ssyncset.done $0x0  }
0x13: {  	[sflag:s13] =	ssyncadd.s32 $0xFFFFD800  }
0x14: {  	s23 =	simm.s32 $0x0;
	[bflag:$0x0] =	sbarrier.arrive $0xFFFF  }
.LBB2_2:
0x15: {  	s24 =	smul.u32 $0x1400, s23;
	_ =	sdelay $0x1  }
0x16: {  	s24 =	sadd.s32 s9, s24  }
0x17: {  	s25 =	sshrl.u32 s24, $0x3  }
0x18: {  	s24 =	simm.s32 $0x0;
	s26 =	sadd.s32 s5, s25  }
0x19: {  	[tilespmem:s24], [sflag:$0x3] =	stream.linear.gather [hbm4b:s26+s24], $0x1400, $0x38;
	[tilespmem:$0x1E800] =	vst v63  }
0x1a: {  	_ =	swait.ge [sflag:s13], $0x1400  }
0x1b: {  	[sflag:s13] =	ssyncset.done $0x0  }
.Ltmp0:
0x1c: {  	s25 =	sadd.s32 s6, s25;
	[sflag:s13] =	ssyncadd.s32 $0xFFFFEC00;
	(pc) =	sbr.rel @p0 .LBB2_6-.Ltmp0, $4  }
0x1d: {  	[tilespmem:s14], [sflag:$0x3] =	stream.linear.gather [hbm4b:s25+s24], $0x1400, $0x38;
	[tilespmem:$0x1E800] =	vst v63  }
0x1e: {  	_ =	swait.ge [sflag:s13], $0x1400  }
0x1f: {  	[sflag:s13] =	ssyncset.done $0x0  }
0x20: {  	[sflag:s13] =	ssyncadd.s32 $0xFFFFEC00  }
0x21: {  	s25 =	simm.s32 $0x0  }
0x22: {  	v2 =	vld [tilespmem:s25+$0x0]  }
0x23: {  	v4 =	vld [tilespmem:s25+$0x10]  }
0x24: {  	v3 =	vld [tilespmem:s25+$0x20]  }
0x25: {  	v1 =	vld [tilespmem:s25+$0x30]  }
0x26: {  	v0 =	vld [tilespmem:s25+$0x40]  }
0x27: {  	v5 =	vadd.s32 $0x2800, v2;
	v2 =	vld [tilespmem:s25+$0x50]  }
0x28: {  	s26 =	simm.s32 $0x200;
	[tilespmem:s25+$0x0] =	vst v5;
	v5 =	vadd.s32 $0x2800, v4;
	v4 =	vld [tilespmem:s25+$0x60]  }
.LBB2_4:
0x29: {  	s28 =	sshra.s32 s26, $0x2;
	p1 =	sne.s32 s26, $0x4E00;
	[tilespmem:s25+$0x10] =	vst v5;
	v3 =	vadd.s32 $0x2800, v3;
	v5 =	vld [tilespmem:s25+$0x70]  }
0x2a: {  	v6 =	vld [tilespmem:s28+$0x0];
	[tilespmem:s25+$0x20] =	vst v3;
	v1 =	vadd.s32 $0x2800, v1  }
0x2b: {  	v7 =	vld [tilespmem:s28+$0x10];
	[tilespmem:s25+$0x30] =	vst v1;
	v0 =	vadd.s32 $0x2800, v0  }
.Ltmp1:
0x2c: {  	v3 =	vld [tilespmem:s28+$0x20];
	[tilespmem:s25+$0x40] =	vst v0;
	v0 =	vadd.s32 $0x2800, v2;
	(pc) =	sbr.rel @p1 .LBB2_4-.Ltmp1, $4  }
0x2d: {  	v1 =	vld [tilespmem:s28+$0x30];
	[tilespmem:s25+$0x50] =	vst v0;
	v2 =	vadd.s32 $0x2800, v4  }
0x2e: {  	v0 =	vld [tilespmem:s28+$0x40];
	[tilespmem:s25+$0x60] =	vst v2;
	v4 =	vadd.s32 $0x2800, v5  }
0x2f: {  	v5 =	vadd.s32 $0x2800, v6;
	v2 =	vld [tilespmem:s28+$0x50];
	[tilespmem:s25+$0x70] =	vst v4;
	s25 =	smov.u32 s28  }
0x30: {  	s26 =	sadd.s32 $0x200, s26;
	[tilespmem:s25+$0x0] =	vst v5;
	v5 =	vadd.s32 $0x2800, v7;
	v4 =	vld [tilespmem:s25+$0x60]  }
0x31: {  	[tilespmem:s25+$0x10] =	vst v5;
	v3 =	vadd.s32 $0x2800, v3;
	v60 =	vld [tilespmem:s25+$0x70]  }
0x32: {  	[tilespmem:s25+$0x20] =	vst v3;
	v1 =	vadd.s32 $0x2800, v1  }
0x33: {  	[tilespmem:s25+$0x30] =	vst v1;
	v0 =	vadd.s32 $0x2800, v0  }
0x34: {  	[tilespmem:s25+$0x40] =	vst v0;
	v61 =	vadd.s32 $0x2800, v2  }
0x35: {  	[tilespmem:s25+$0x50] =	vst v61;
	v62 =	vadd.s32 $0x2800, v4  }
0x36: {  	[tilespmem:s25+$0x60] =	vst v62;
	v63 =	vadd.s32 $0x2800, v60  }
0x37: {  	[tilespmem:s25+$0x70] =	vst v63  }
.LBB2_6:
0x38: {  	[tilespmem:s16], [sflag:$0x1] =	stream.indirect.gather [hbm4b:s4+s15], $0x80, s24, s15, $0xb8;
	[tilespmem:$0x1E800] =	vst v63  }
0x39: {  	s28 =	simm.s32 $0x80  }
0x3a: {  	[tilespmem:s17], [sflag:$0x2] =	stream.indirect.gather [hbm4b:s4+s15], $0x80, s28, s15, $0xb8;
	[tilespmem:$0x1E800] =	vst v63  }
0x3b: {  	_ =	swait.ge [sflag:s18], $0x4000  }
0x3c: {  	[sflag:s18] =	ssyncset.done $0x0  }
0x3d: {  	s29 =	simm.s32 $0x1400;
	[sflag:s18] =	ssyncadd.s32 $0xFFFFC000  }
0x3e: {  	[spmem:s1] =	stream.indirect.scatter.add.f32 [tilespmem:s16], [sflag:$0x3], $0x80, s29, s15, $0xb8;
	[tilespmem:$0x1E800] =	vst v63  }
0x3f: {  	_ =	swait.ge [sflag:s13], $0x4000  }
0x40: {  	[sflag:s13] =	ssyncset.done $0x0  }
0x41: {  	s30 =	simm.s32 $0x100;
	[sflag:s13] =	ssyncadd.s32 $0xFFFFC000  }
0x42: {  	[tilespmem:s16], [sflag:$0x1] =	stream.indirect.gather [hbm4b:s4+s15], $0x80, s30, s15, $0xb8;
	[tilespmem:$0x1E800] =	vst v63  }
0x43: {  	_ =	swait.ge [sflag:s19], $0x4000  }
0x44: {  	[sflag:s19] =	ssyncset.done $0x0  }
0x45: {  	s31 =	simm.s32 $0x1480;
	[sflag:s19] =	ssyncadd.s32 $0xFFFFC000  }
0x46: {  	[spmem:s1] =	stream.indirect.scatter.add.f32 [tilespmem:s17], [sflag:$0x3], $0x80, s31, s15, $0xb8;
	[tilespmem:$0x1E800] =	vst v63  }
0x47: {  	_ =	swait.ge [sflag:s13], $0x4000  }
0x48: {  	s25 =	simm.s32 $0x800;
	s24 =	simm.s32 $0x100;
	[sflag:s13] =	ssyncset.done $0x0  }
.LBB2_7:
0x49: {  	s26 =	sadd.s32 $0x80, s24  }
0x4a: {  	[sflag:s13] =	ssyncadd.s32 $0xFFFFC000;
	s28 =	smov.u32 s25;
	s29 =	sadd.s32 $0x400, s25  }
0x4b: {  	[tilespmem:s17], [sflag:$0x2] =	stream.indirect.gather [hbm4b:s4+s15], $0x80, s26, s15, $0xb8;
	[tilespmem:$0x1E800] =	vst v63  }
0x4c: {  	p1 =	sne.s32 s25, $0x4800;
	_ =	swait.ge [sflag:s18], $0x4000  }
0x4d: {  	[sflag:s18] =	ssyncset.done $0x0  }
0x4e: {  	s25 =	sadd.s32 $0x1400, s24;
	[sflag:s18] =	ssyncadd.s32 $0xFFFFC000  }
0x4f: {  	[spmem:s1] =	stream.indirect.scatter.add.f32 [tilespmem:s16], [sflag:$0x3], $0x80, s25, s15, $0xb8;
	[tilespmem:$0x1E800] =	vst v63  }
0x50: {  	_ =	swait.ge [sflag:s13], $0x4000  }
0x51: {  	[sflag:s13] =	ssyncset.done $0x0  }
0x52: {  	s25 =	sadd.s32 $0x100, s24;
	[sflag:s13] =	ssyncadd.s32 $0xFFFFC000  }
0x53: {  	[tilespmem:s16], [sflag:$0x1] =	stream.indirect.gather [hbm4b:s4+s15], $0x80, s25, s15, $0xb8;
	[tilespmem:$0x1E800] =	vst v63  }
0x54: {  	_ =	swait.ge [sflag:s19], $0x4000  }
.Ltmp2:
0x55: {  	[sflag:s19] =	ssyncset.done $0x0;
	(pc) =	sbr.rel @p1 .LBB2_7-.Ltmp2, $4  }
0x56: {  	s24 =	sadd.s32 $0x1480, s24;
	[sflag:s19] =	ssyncadd.s32 $0xFFFFC000  }
0x57: {  	[spmem:s1] =	stream.indirect.scatter.add.f32 [tilespmem:s17], [sflag:$0x3], $0x80, s24, s15, $0xb8;
	[tilespmem:$0x1E800] =	vst v63  }
0x58: {  	_ =	swait.ge [sflag:s13], $0x4000  }
0x59: {  	s25 =	smov.u32 s29;
	s24 =	sshra.s32 s28, $0x2;
	[sflag:s13] =	ssyncset.done $0x0  }
0x5a: {  	s25 =	sadd.s32 $0x80, s24;
	[sflag:s13] =	ssyncadd.s32 $0xFFFFC000  }
0x5b: {  	[tilespmem:s17], [sflag:$0x2] =	stream.indirect.gather [hbm4b:s4+s15], $0x80, s25, s15, $0xb8;
	[tilespmem:$0x1E800] =	vst v63  }
0x5c: {  	_ =	swait.ge [sflag:s18], $0x4000  }
0x5d: {  	[sflag:s18] =	ssyncset.done $0x0  }
0x5e: {  	s29 =	sadd.s32 $0x1400, s24;
	[sflag:s18] =	ssyncadd.s32 $0xFFFFC000  }
0x5f: {  	[spmem:s1] =	stream.indirect.scatter.add.f32 [tilespmem:s16], [sflag:$0x3], $0x80, s29, s15, $0xb8;
	[tilespmem:$0x1E800] =	vst v63  }
0x60: {  	_ =	swait.ge [sflag:s13], $0x4000  }
0x61: {  	[sflag:s13] =	ssyncset.done $0x0  }
0x62: {  	s30 =	sadd.s32 $0x100, s24;
	[sflag:s13] =	ssyncadd.s32 $0xFFFFC000  }
0x63: {  	[tilespmem:s16], [sflag:$0x1] =	stream.indirect.gather [hbm4b:s4+s15], $0x80, s30, s15, $0xb8;
	[tilespmem:$0x1E800] =	vst v63  }
0x64: {  	_ =	swait.ge [sflag:s19], $0x4000  }
0x65: {  	[sflag:s19] =	ssyncset.done $0x0  }
0x66: {  	s31 =	sadd.s32 $0x1480, s24;
	[sflag:s19] =	ssyncadd.s32 $0xFFFFC000  }
0x67: {  	[spmem:s1] =	stream.indirect.scatter.add.f32 [tilespmem:s17], [sflag:$0x3], $0x80, s31, s15, $0xb8;
	[tilespmem:$0x1E800] =	vst v63  }
0x68: {  	_ =	swait.ge [sflag:s13], $0x4000  }
0x69: {  	[sflag:s13] =	ssyncset.done $0x0  }
0x6a: {  	[sflag:s13] =	ssyncadd.s32 $0xFFFFC000  }
0x6b: {  	[tilespmem:s17], [sflag:$0x2] =	stream.indirect.gather [hbm4b:s4+s15], $0x80, s20, s15, $0xb8;
	[tilespmem:$0x1E800] =	vst v63  }
0x6c: {  	_ =	swait.ge [sflag:s18], $0x4000  }
0x6d: {  	[sflag:s18] =	ssyncset.done $0x0  }
0x6e: {  	[sflag:s18] =	ssyncadd.s32 $0xFFFFC000  }
0x6f: {  	[spmem:s1] =	stream.indirect.scatter.add.f32 [tilespmem:s16], [sflag:$0x3], $0x80, s21, s15, $0xb8;
	[tilespmem:$0x1E800] =	vst v63  }
0x70: {  	_ =	swait.ge [sflag:s13], $0x4000  }
0x71: {  	[sflag:s13] =	ssyncset.done $0x0  }
0x72: {  	[sflag:s13] =	ssyncadd.s32 $0xFFFFC000  }
0x73: {  	s23 =	sadd.s32 $0x1, s23;
	_ =	swait.ge [sflag:s19], $0x4000  }
0x74: {  	p1 =	sne.s32 s23, $0x4;
	[sflag:s19] =	ssyncset.done $0x0  }
.Ltmp3:
0x75: {  	[sflag:s19] =	ssyncadd.s32 $0xFFFFC000;
	(pc) =	sbr.rel @p1 .LBB2_2-.Ltmp3, $4  }
0x76: {  	[spmem:s1] =	stream.indirect.scatter.add.f32 [tilespmem:s17], [sflag:$0x3], $0x80, s22, s15, $0xb8;
	[tilespmem:$0x1E800] =	vst v63  }
0x77: {  	_ =	swait.ge [sflag:s13], $0x4000  }
0x78: {  	[sflag:s13] =	ssyncset.done $0x0  }
0x79: {  	[sflag:s13] =	ssyncadd.s32 $0xFFFFC000  }
0x7a: {  	s3 =	sadd.s32 $0x1, s3  }
0x7b: {  	p1 =	sne.s32 s3, s11  }
.Ltmp4:
0x7c: {  	[bflag:$0x0] =	sbarrier.arrive $0xFFFF;
	(pc) =	sbr.rel @p1 .LBB2_1-.Ltmp4, $4  }
0x7d: {  	[hbm:s10], [sflag:s8] =	dma.local [spmem:s12], $0x2800  }
0x7e: {  	_ =	swait.ge [sflag:s13], $0x2800  }
0x7f: {  	[sflag:s13] =	ssyncset.done $0x0  }
0x80: {  	[sflag:s13] =	ssyncadd.s32 $0xFFFFD800  }
0x81: {  	_ =	sfence.sel $0x180000  }
0x82: {  	[bflag:$0x0] =	sbarrier.arrive $0xFFFF  }
0x83: {  	p0 =	sne.s32 s2, $0x0;
	_ =	strace $0x9000004A  }
0x84: {  	s0 =	sadd.s32 @!p0 $0x100000, s0;
	[bflag:$0x2] =	sbarrier.arrive $0xFFFF  }
0x85: {  	[sflag:s0] =	ssyncadd.tile.s32 @!p0 $0x1;
	_ =	shalt  }
.Lfunc_end2:
_tile_overlayer_lowered:
.L_overlay_start_2:
0x86: {  	(tag) =	ssettag $0x2  }
0x87: {  	s0 =	rddreg [dreg:$0x0];
	s2 =	stileid.u32  }
0x88: {  	s1 =	rddreg [dreg:$0x1];
	p0 =	sne.s32 s2, $0x0  }
0x89: {  	s3 =	rddreg [dreg:$0x2];
	[bflag:$0x3] =	sbarrier.arrive $0xFFFF;
	s2 =	simm.s32 @!p0 $0x1C03  }
0x8a: {  	[timem:s3], [sflag:s2] =	dma.local @!p0 [hbm:s0], s1  }
0x8b: {  	s0 =	simm.s32 @!p0 $0x3  }
0x8c: {  	_ =	swait.ge @!p0 [sflag:s0], s1  }
0x8d: {  	s1 =	ssub.s32 @!p0 $0x0, s1;
	[sflag:s0] =	ssyncset.done @!p0 $0x0  }
0x8e: {  	[sflag:s0] =	ssyncadd.s32 @!p0 s1  }
0x8f: {  	[bflag:$0x3] =	sbarrier.arrive $0xFFFF  }
0x90: {  	_ =	shalt  }

// kernel: kernel.14.cloned.1.call-start
scs
__scs_entry_jumppad:
0x0: {  	(pc) =	sbr.rel $0x88, $3  }
0x1: {  	(tag) =	ssettag $0x0;
	lr =	simm.s32 $0x1  }
0x2: {  	[smem:$0x3F98] =	sst lr;
	_ =	strace $0xD0000000  }
0x3: {  	_ = 	snop  }
0x4: {  	_ = 	snop  }
0x5: {  	_ = 	snop  }
0x6: {  	_ = 	snop  }
0x7: {  	_ = 	snop  }
__scs_overlays_trampoline_lowered:
0x8: {  	[smem:$0x3FA7] =	sst s0  }
0x9: {  	[smem:$0x3FA8] =	sst s1  }
0xa: {  	[smem:$0x3FA9] =	sst s2  }
0xb: {  	[smem:$0x3FAA] =	sst s3  }
0xc: {  	[smem:$0x3FAB] =	sst s4  }
0xd: {  	[smem:$0x3FAC] =	sst s5  }
0xe: {  	[smem:$0x3FAD] =	sst s6  }
0xf: {  	[smem:$0x3FAE] =	sst s7  }
0x10: {  	[smem:$0x3FAF] =	sst s8  }
0x11: {  	[smem:$0x3FB0] =	sst s9;
	s0 =	simm.s32 @!p0 $0x0  }
0x12: {  	s1 =	sld [smem:$0x3F96];
	s0 =	simm.s32 @p0 $0x1  }
0x13: {  	[smem:$0x3FB1] =	sst s0;
	s0 =	simm.s32 @!p1 $0x0  }
0x14: {  	s2 =	sld [smem:$0x3F95];
	s0 =	simm.s32 @p1 $0x1  }
0x15: {  	[smem:$0x3FB2] =	sst s0;
	s0 =	simm.s32 @!p2 $0x0  }
0x16: {  	s3 =	sld [smem:$0x3FDB];
	s0 =	simm.s32 @p2 $0x1  }
0x17: {  	s4 =	simm.s32 $0x1BF5;
	[smem:$0x3FB4] =	sst s0  }
0x18: {  	s0 =	sld [smem:$0x3F97];
	_ =	swait.ge [sflag:s4], $0x0  }
0x19: {  	s7 =	sld [smem:$0x3F98]  }
0x1a: {  	s8 =	sadd.s32 $0xFFFFE003, lr  }
0x1b: {  	s9 =	sadd.s32 $0xFFFFFEF7, lr;
	s5 =	simm.s32 $0xFFFFFFFF;
	p2 =	slt.u32 s8, $0xFFFFF086  }
0x1c: {  	p1 =	slt.u32 s9, $0xF7A;
	s5 =	simm.s32 @!p2 $0x0  }
0x1d: {  	s5 =	simm.s32 @p1 $0x1;
	p0 =	seq.s32 s7, s2  }
0x1e: {  	s7 =	smul.u32 @!p0 $0xF7A, s2;
	p2 =	seq.s32 @!p0 s5, $0x0  }
0x1f: {  	s9 =	smul.u32 $0xF7A, s1;
	s8 =	simm.s32 @!p0 $0x1BF5;
	p2 =	por !p2, p0  }
0x20: {  	[sflag:s8] =	ssyncset.s32 @!p0 $0xFFFFF086;
	s6 =	sadd.s32 @!p0 s3, s7;
	s7 =	simm.s32 @!p0 $0x108  }
0x21: {  	s3 =	sadd.s32 s3, s9;
	s6 =	sadd.s32 @!p0 $0x88, s6;
	s7 =	simm.s32 @p2 $0x1082  }
0x22: {  	[simem:s7], [sflag:s8] =	dma.local @!p0 [hbm:s6], $0xF7A  }
0x23: {  	s9 =	sor.u32 $0xD0000000, s2;
	s6 =	simm.s32 $0x108;
	_ =	swait.ge @!p0 [sflag:s8], $0x0  }
0x24: {  	s3 =	sadd.s32 $0x88, s3;
	s6 =	simm.s32 @!p1 $0x1082;
	[sflag:s4] =	ssyncset.s32 $0xFFFFF086  }
0x25: {  	[simem:s6], [sflag:s4] =	dma.local [hbm:s3], $0xF7A  }
0x26: {  	[smem:$0x3F98] =	sst s1;
	(tag) =	ssettag s2;
	_ =	strace s9  }
0x27: {  	s1 =	sld [smem:$0x3FA8]  }
0x28: {  	s2 =	sld [smem:$0x3FA9]  }
0x29: {  	s4 =	sld [smem:$0x3FAB]  }
0x2a: {  	p0 =	seq.s32 s5, $0x0;
	s5 =	sld [smem:$0x3FAC]  }
0x2b: {  	s6 =	sld [smem:$0x3FAD]  }
0x2c: {  	s7 =	sld [smem:$0x3FAE]  }
0x2d: {  	s3 =	simm.s32 $0x108;
	s8 =	sld [smem:$0x3FAF]  }
0x2e: {  	s3 =	simm.s32 @!p0 $0x1082;
	s9 =	sld [smem:$0x3FB0]  }
0x2f: {  	lr =	sadd.s32 s0, s3;
	s0 =	sld [smem:$0x3FA7]  }
0x30: {  	s3 =	sld [smem:$0x3FAA]  }
0x31: {  	[smem:$0x3FB3] =	sst s10  }
0x32: {  	s10 =	sld [smem:$0x3FB1];
	_ =	sdelay $0x3  }
0x33: {  	p0 =	seq.s32 s10, $0x1;
	s10 =	sld [smem:$0x3FB3];
	_ =	sdelay $0x3  }
0x34: {  	[smem:$0x3FB3] =	sst s10  }
0x35: {  	s10 =	sld [smem:$0x3FB2];
	_ =	sdelay $0x3  }
0x36: {  	p1 =	seq.s32 s10, $0x1;
	s10 =	sld [smem:$0x3FB3];
	_ =	sdelay $0x3  }
0x37: {  	[smem:$0x3FB3] =	sst s10  }
0x38: {  	s10 =	sld [smem:$0x3FB4]  }
0x39: {  	_ = 	snop;
	(pc) =	sbr.ind lr, $3  }
0x3a: {  	_ = 	snop  }
0x3b: {  	_ = 	snop  }
0x3c: {  	p2 =	seq.s32 s10, $0x1;
	s10 =	sld [smem:$0x3FB3]  }
0x3d: {  	_ =	shalt  }
0x3e: {  	_ =	shalt  }
0x3f: {  	_ =	shalt  }
0x40: {  	_ =	shalt  }
0x41: {  	_ =	shalt  }
0x42: {  	_ =	shalt  }
0x43: {  	_ =	shalt  }
0x44: {  	_ =	shalt  }
0x45: {  	_ =	shalt  }
0x46: {  	_ =	shalt  }
0x47: {  	_ =	shalt  }
0x48: {  	_ =	shalt  }
0x49: {  	_ =	shalt  }
0x4a: {  	_ =	shalt  }
0x4b: {  	_ =	shalt  }
0x4c: {  	_ =	shalt  }
0x4d: {  	_ =	shalt  }
0x4e: {  	_ =	shalt  }
0x4f: {  	_ =	shalt  }
0x50: {  	_ =	shalt  }
0x51: {  	_ =	shalt  }
0x52: {  	_ =	shalt  }
0x53: {  	_ =	shalt  }
0x54: {  	_ =	shalt  }
0x55: {  	_ =	shalt  }
0x56: {  	_ =	shalt  }
0x57: {  	_ =	shalt  }
0x58: {  	_ =	shalt  }
0x59: {  	_ =	shalt  }
0x5a: {  	_ =	shalt  }
0x5b: {  	_ =	shalt  }
0x5c: {  	_ =	shalt  }
0x5d: {  	_ =	shalt  }
0x5e: {  	_ =	shalt  }
0x5f: {  	_ =	shalt  }
0x60: {  	_ =	shalt  }
0x61: {  	_ =	shalt  }
0x62: {  	_ =	shalt  }
0x63: {  	_ =	shalt  }
0x64: {  	_ =	shalt  }
0x65: {  	_ =	shalt  }
0x66: {  	_ =	shalt  }
0x67: {  	_ =	shalt  }
0x68: {  	_ =	shalt  }
0x69: {  	_ =	shalt  }
0x6a: {  	_ =	shalt  }
0x6b: {  	_ =	shalt  }
0x6c: {  	_ =	shalt  }
0x6d: {  	_ =	shalt  }
0x6e: {  	_ =	shalt  }
0x6f: {  	_ =	shalt  }
0x70: {  	_ =	shalt  }
0x71: {  	_ =	shalt  }
0x72: {  	_ =	shalt  }
0x73: {  	_ =	shalt  }
0x74: {  	_ =	shalt  }
0x75: {  	_ =	shalt  }
0x76: {  	_ =	shalt  }
0x77: {  	_ =	shalt  }
0x78: {  	_ =	shalt  }
0x79: {  	_ =	shalt  }
0x7a: {  	_ =	shalt  }
0x7b: {  	_ =	shalt  }
0x7c: {  	_ =	shalt  }
0x7d: {  	_ =	shalt  }
0x7e: {  	_ =	shalt  }
0x7f: {  	_ =	shalt  }
0x80: {  	_ =	shalt  }
0x81: {  	_ =	shalt  }
0x82: {  	_ =	shalt  }
0x83: {  	_ =	shalt  }
0x84: {  	_ =	shalt  }
0x85: {  	_ =	shalt  }
0x86: {  	_ =	shalt  }
0x87: {  	_ =	shalt  }
.Lfunc_end0:
.L_simem_size_0:
called_computation.2_lowered:
.L_overlay_start_0:
0x88: {  	s2 =	sld [smem:$0x3FD9]  }
0x89: {  	s3 =	sld [smem:$0x3FFE];
	_ =	sdelay $0x1  }
0x8a: {  	s1 =	srdreg.scid  }
0x8b: {  	s0 =	sand.u32 $0x1, s1  }
0x8c: {  	s16 =	sshll.u32 s0, $0xA;
	s2 =	sadd.s32 s3, s2  }
0x8d: {  	s2 =	sadd.s32 s2, s16  }
0x8e: {  	[smem:$0x3FBF] =	sst s2  }
0x8f: {  	_ = 	snop  }
0x90: {  	(tm) =	ssettm $0x1  }
0x91: {  	s17 =	sld [smem:$0x3FFB];
	_ =	sdelay $0x3  }
0x92: {  	_ =	strace s17  }
0x93: {  	s2 =	sld [smem:$0x3FFC];
	_ =	sdelay $0x3  }
0x94: {  	_ =	strace s2  }
0x95: {  	s2 =	sld [smem:$0x3FFD];
	_ =	sdelay $0x3  }
0x96: {  	_ =	strace s2  }
0x97: {  	_ =	strace $0x8FFFFFFF  }
0x98: {  	s18 =	sld [smem:$0x3FDB];
	_ =	sdelay $0x1  }
0x99: {  	s19 =	simm.s32 $_scs_section_size  }
0x9a: {  	s4 =	simm.s32 $_size__tile_overlayer_lowered;
	s5 =	simm.s32 $_tile_overlayer_lowered  }
0x9b: {  	s22 =	simm.s32 $0x1BFF;
	s21 =	sshll.u32 s5, $0x1;
	s2 =	sadd.s32 s19, s18  }
0x9c: {  	s6 =	simm.s32 $0x0;
	s20 =	sshll.u32 s4, $0x1;
	s4 =	sadd.s32 s21, s2  }
0x9d: {  	[timem:s6], [sflag:s22] =	dma.local [hbm:s4], s20  }
0x9e: {  	_ =	swait.ge [sflag:s22], s20  }
0x9f: {  	s3 =	ssub.s32 $0x0, s20;
	[sflag:s22] =	ssyncset.done $0x0  }
0xa0: {  	[sflag:s22] =	ssyncadd.s32 s3;
	_ =	sdelay $0x1  }
0xa1: {  	s23 =	simm.s32 $0x1B8B  }
0xa2: {  	_ =	swait.ge [sflag:s23], $0x1  }
0xa3: {  	[sflag:s23] =	ssyncset.done $0x0  }
0xa4: {  	s25 =	simm.s32 $0x1B8E;
	s24 =	sld [smem:$0x3FFE];
	[sflag:s23] =	ssyncadd.s32 $0xFFFFFFFF  }
0xa5: {  	s26 =	simm.s32 $execute0_lowered;
	[smem:$0x3FD2] =	sst s25  }
0xa6: {  	s4 =	sshll.u32 s26, $0x1;
	_ =	strace $0x8000004C;
	[dreg:$0x1] =	wrdreg $0xFFFFFFFF  }
0xa7: {  	s28 =	simm.s32 $_size_execute0_lowered;
	s2 =	sadd.s32 s2, s4;
	[dreg:$0x0] =	wrdreg $0x0  }
0xa8: {  	s4 =	sshll.u32 s28, $0x1;
	[dreg:$0x2] =	wrdreg s2  }
0xa9: {  	[dreg:$0x3] =	wrdreg s4  }
0xaa: {  	[dreg:$0x4] =	wrdreg $0xC0  }
0xab: {  	_ =	task [dreg:s6], $0x5FFFF  }
0xac: {  	[dreg:$0x1] =	wrdreg $0xFFFFFFFF  }
0xad: {  	[dreg:$0x0] =	wrdreg $0x60  }
0xae: {  	[dreg:$0x2] =	wrdreg s24  }
0xaf: {  	[dreg:$0x3] =	wrdreg $0xA8000  }
0xb0: {  	[dreg:$0x4] =	wrdreg $0x9  }
0xb1: {  	_ =	task.clear_ibuf [dreg:s6], $0x5FFFF;
	_ =	strace $0x9000004C  }
0xb2: {  	s29 =	simm.s32 $0x9;
	_ =	strace $0x8000004E  }
0xb3: {  	_ =	swait.ge [sflag:s29], $0x1  }
0xb4: {  	[sflag:s29] =	ssyncadd.s32 $0xFFFFFFFF  }
0xb5: {  	_ =	strace $0x9000004E  }
0xb6: {  	_ =	sfence  }
0xb7: {  	s30 =	sld [smem:$0x0];
	_ =	sdelay $0x2  }
0xb8: {  	s31 =	sshll.u32 s1, $0xD;
	s1 =	sshrl.u32 s1, $0x2  }
0xb9: {  	s3 =	sand.u32 $0x4000, s31;
	s1 =	sadd.s32 s1, s30  }
0xba: {  	s0 =	sor.u32 s3, s0;
	s1 =	sshll.u32 s1, $0x11  }
0xbb: {  	s0 =	sor.u32 s1, s0  }
0xbc: {  	s0 =	sadd.s32 $0x8F2B, s0  }
0xbd: {  	[sflag:s0] =	ssyncadd.remote.s32 $0x1  }
0xbe: {  	_ =	sfence.sel $0xFFFF  }
0xbf: {  	[dreg:$0x0] =	wrdreg $0xFFFFFFFF;
	(pc) =	sbr.abs _section_cstart, $3  }
0xc0: {  	[dreg:$0x1] =	wrdreg $0xFFFFFFFF  }
0xc1: {  	_ =	task.clear_ibuf [dreg:s6], $0x2FFFF;
	_ =	strace $0x9FFFFFFF  }
0xc2: {  	(tm) =	ssettm $0x7FFFFFFF  }
0xc3: {  	_ =	shalt  }
tec
execute0_lowered:
.L_overlay_start_1:
0x0: {  	(tag) =	ssettag $0x1  }
0x1: {  	s7 =	rddreg [dreg:$0x0]  }
0x2: {  	s1 =	rddreg [dreg:$0x1]  }
0x3: {  	s2 =	srdreg.scid;
	s0 =	rddreg [dreg:$0x2];
	s3 =	simm.s32 $0x0  }
0x4: {  	s15 =	simm.s32 $0x80;
	s16 =	simm.s32 $0x2800;
	s17 =	simm.s32 $0x6800  }
0x5: {  	s18 =	simm.s32 $0x1;
	s19 =	simm.s32 $0x2;
	s20 =	simm.s32 $0x1380  }
0x6: {  	s21 =	simm.s32 $0x2700;
	s14 =	sand.u32 $0x1, s2;
	s2 =	stileid.u32  }
0x7: {  	s22 =	simm.s32 $0x2780;
	[smem:$0x7FF] =	sst s3;
	s6 =	smul.u32 $0x2800, s14  }
0x8: {  	s4 =	sadd.s32 $0x16600, s7;
	s5 =	sadd.s32 $0x2600, s7;
	s8 =	smul.u32 $0x280, s2  }
0x9: {  	_ =	strace $0x8000004D;
	s9 =	ssub.s32 $0x2, s14;
	s10 =	smul.u32 $0x50000, s2  }
0xa: {  	s31 =	sshll.u32 s2, $0x6;
	p0 =	seq.s32 s14, $0x0;
	s29 =	sshrl.u32 s9, $0x1  }
0xb: {  	s14 =	simm.s32 $0x1400;
	s6 =	sadd.s32 s8, s6;
	s12 =	ssub.s32 s9, s29  }
0xc: {  	s30 =	sshrl.u32 s10, $0x2;
	s9 =	smul.u32 $0x5000, s2;
	s8 =	sshll.u32 s6, $0x4  }
0xd: {  	s6 =	sadd.s32 $0xC600, s7;
	s13 =	sadd.s32 s30, s1;
	s11 =	sadd.s32 s8, s7  }
0xe: {  	s7 =	sadd.s32 s4, s8;
	s8 =	sor.u32 $0x1C03, s31;
	s10 =	sadd.s32 $0x66600, s11  }
0xf: {  	s11 =	smax.u32 s12, $0x1;
	s12 =	sshrl.u32 s13, $0x3;
	s13 =	simm.s32 $0x3  }
.LBB2_1:
0x10: {  	[spmem:s12], [sflag:s8] =	dma.local [hbm:s7], $0x2800  }
0x11: {  	_ =	swait.ge [sflag:s13], $0x2800  }
0x12: {  	[sflag:s13] =	ssyncset.done $0x0  }
0x13: {  	[sflag:s13] =	ssyncadd.s32 $0xFFFFD800  }
0x14: {  	s23 =	simm.s32 $0x0;
	[bflag:$0x0] =	sbarrier.arrive $0xFFFF  }
.LBB2_2:
0x15: {  	s24 =	smul.u32 $0x1400, s23;
	_ =	sdelay $0x1  }
0x16: {  	s24 =	sadd.s32 s9, s24  }
0x17: {  	s25 =	sshrl.u32 s24, $0x3  }
0x18: {  	s24 =	simm.s32 $0x0;
	s26 =	sadd.s32 s5, s25  }
0x19: {  	[tilespmem:s24], [sflag:$0x3] =	stream.linear.gather [hbm4b:s26+s24], $0x1400, $0x38;
	[tilespmem:$0x1E800] =	vst v63  }
0x1a: {  	_ =	swait.ge [sflag:s13], $0x1400  }
0x1b: {  	[sflag:s13] =	ssyncset.done $0x0  }
.Ltmp0:
0x1c: {  	s25 =	sadd.s32 s6, s25;
	[sflag:s13] =	ssyncadd.s32 $0xFFFFEC00;
	(pc) =	sbr.rel @p0 .LBB2_6-.Ltmp0, $4  }
0x1d: {  	[tilespmem:s14], [sflag:$0x3] =	stream.linear.gather [hbm4b:s25+s24], $0x1400, $0x38;
	[tilespmem:$0x1E800] =	vst v63  }
0x1e: {  	_ =	swait.ge [sflag:s13], $0x1400  }
0x1f: {  	[sflag:s13] =	ssyncset.done $0x0  }
0x20: {  	[sflag:s13] =	ssyncadd.s32 $0xFFFFEC00  }
0x21: {  	s25 =	simm.s32 $0x0  }
0x22: {  	v2 =	vld [tilespmem:s25+$0x0]  }
0x23: {  	v4 =	vld [tilespmem:s25+$0x10]  }
0x24: {  	v3 =	vld [tilespmem:s25+$0x20]  }
0x25: {  	v1 =	vld [tilespmem:s25+$0x30]  }
0x26: {  	v0 =	vld [tilespmem:s25+$0x40]  }
0x27: {  	v5 =	vadd.s32 $0x2800, v2;
	v2 =	vld [tilespmem:s25+$0x50]  }
0x28: {  	s26 =	simm.s32 $0x200;
	[tilespmem:s25+$0x0] =	vst v5;
	v5 =	vadd.s32 $0x2800, v4;
	v4 =	vld [tilespmem:s25+$0x60]  }
.LBB2_4:
0x29: {  	s28 =	sshra.s32 s26, $0x2;
	p1 =	sne.s32 s26, $0x4E00;
	[tilespmem:s25+$0x10] =	vst v5;
	v3 =	vadd.s32 $0x2800, v3;
	v5 =	vld [tilespmem:s25+$0x70]  }
0x2a: {  	v6 =	vld [tilespmem:s28+$0x0];
	[tilespmem:s25+$0x20] =	vst v3;
	v1 =	vadd.s32 $0x2800, v1  }
0x2b: {  	v7 =	vld [tilespmem:s28+$0x10];
	[tilespmem:s25+$0x30] =	vst v1;
	v0 =	vadd.s32 $0x2800, v0  }
.Ltmp1:
0x2c: {  	v3 =	vld [tilespmem:s28+$0x20];
	[tilespmem:s25+$0x40] =	vst v0;
	v0 =	vadd.s32 $0x2800, v2;
	(pc) =	sbr.rel @p1 .LBB2_4-.Ltmp1, $4  }
0x2d: {  	v1 =	vld [tilespmem:s28+$0x30];
	[tilespmem:s25+$0x50] =	vst v0;
	v2 =	vadd.s32 $0x2800, v4  }
0x2e: {  	v0 =	vld [tilespmem:s28+$0x40];
	[tilespmem:s25+$0x60] =	vst v2;
	v4 =	vadd.s32 $0x2800, v5  }
0x2f: {  	v5 =	vadd.s32 $0x2800, v6;
	v2 =	vld [tilespmem:s28+$0x50];
	[tilespmem:s25+$0x70] =	vst v4;
	s25 =	smov.u32 s28  }
0x30: {  	s26 =	sadd.s32 $0x200, s26;
	[tilespmem:s25+$0x0] =	vst v5;
	v5 =	vadd.s32 $0x2800, v7;
	v4 =	vld [tilespmem:s25+$0x60]  }
0x31: {  	[tilespmem:s25+$0x10] =	vst v5;
	v3 =	vadd.s32 $0x2800, v3;
	v60 =	vld [tilespmem:s25+$0x70]  }
0x32: {  	[tilespmem:s25+$0x20] =	vst v3;
	v1 =	vadd.s32 $0x2800, v1  }
0x33: {  	[tilespmem:s25+$0x30] =	vst v1;
	v0 =	vadd.s32 $0x2800, v0  }
0x34: {  	[tilespmem:s25+$0x40] =	vst v0;
	v61 =	vadd.s32 $0x2800, v2  }
0x35: {  	[tilespmem:s25+$0x50] =	vst v61;
	v62 =	vadd.s32 $0x2800, v4  }
0x36: {  	[tilespmem:s25+$0x60] =	vst v62;
	v63 =	vadd.s32 $0x2800, v60  }
0x37: {  	[tilespmem:s25+$0x70] =	vst v63  }
.LBB2_6:
0x38: {  	[tilespmem:s16], [sflag:$0x1] =	stream.indirect.gather [hbm4b:s4+s15], $0x80, s24, s15, $0xb8;
	[tilespmem:$0x1E800] =	vst v63  }
0x39: {  	s28 =	simm.s32 $0x80  }
0x3a: {  	[tilespmem:s17], [sflag:$0x2] =	stream.indirect.gather [hbm4b:s4+s15], $0x80, s28, s15, $0xb8;
	[tilespmem:$0x1E800] =	vst v63  }
0x3b: {  	_ =	swait.ge [sflag:s18], $0x4000  }
0x3c: {  	[sflag:s18] =	ssyncset.done $0x0  }
0x3d: {  	s29 =	simm.s32 $0x1400;
	[sflag:s18] =	ssyncadd.s32 $0xFFFFC000  }
0x3e: {  	[spmem:s1] =	stream.indirect.scatter.add.f32 [tilespmem:s16], [sflag:$0x3], $0x80, s29, s15, $0xb8;
	[tilespmem:$0x1E800] =	vst v63  }
0x3f: {  	_ =	swait.ge [sflag:s13], $0x4000  }
0x40: {  	[sflag:s13] =	ssyncset.done $0x0  }
0x41: {  	s30 =	simm.s32 $0x100;
	[sflag:s13] =	ssyncadd.s32 $0xFFFFC000  }
0x42: {  	[tilespmem:s16], [sflag:$0x1] =	stream.indirect.gather [hbm4b:s4+s15], $0x80, s30, s15, $0xb8;
	[tilespmem:$0x1E800] =	vst v63  }
0x43: {  	_ =	swait.ge [sflag:s19], $0x4000  }
0x44: {  	[sflag:s19] =	ssyncset.done $0x0  }
0x45: {  	s31 =	simm.s32 $0x1480;
	[sflag:s19] =	ssyncadd.s32 $0xFFFFC000  }
0x46: {  	[spmem:s1] =	stream.indirect.scatter.add.f32 [tilespmem:s17], [sflag:$0x3], $0x80, s31, s15, $0xb8;
	[tilespmem:$0x1E800] =	vst v63  }
0x47: {  	_ =	swait.ge [sflag:s13], $0x4000  }
0x48: {  	s25 =	simm.s32 $0x800;
	s24 =	simm.s32 $0x100;
	[sflag:s13] =	ssyncset.done $0x0  }
.LBB2_7:
0x49: {  	s26 =	sadd.s32 $0x80, s24  }
0x4a: {  	[sflag:s13] =	ssyncadd.s32 $0xFFFFC000;
	s28 =	smov.u32 s25;
	s29 =	sadd.s32 $0x400, s25  }
0x4b: {  	[tilespmem:s17], [sflag:$0x2] =	stream.indirect.gather [hbm4b:s4+s15], $0x80, s26, s15, $0xb8;
	[tilespmem:$0x1E800] =	vst v63  }
0x4c: {  	p1 =	sne.s32 s25, $0x4800;
	_ =	swait.ge [sflag:s18], $0x4000  }
0x4d: {  	[sflag:s18] =	ssyncset.done $0x0  }
0x4e: {  	s25 =	sadd.s32 $0x1400, s24;
	[sflag:s18] =	ssyncadd.s32 $0xFFFFC000  }
0x4f: {  	[spmem:s1] =	stream.indirect.scatter.add.f32 [tilespmem:s16], [sflag:$0x3], $0x80, s25, s15, $0xb8;
	[tilespmem:$0x1E800] =	vst v63  }
0x50: {  	_ =	swait.ge [sflag:s13], $0x4000  }
0x51: {  	[sflag:s13] =	ssyncset.done $0x0  }
0x52: {  	s25 =	sadd.s32 $0x100, s24;
	[sflag:s13] =	ssyncadd.s32 $0xFFFFC000  }
0x53: {  	[tilespmem:s16], [sflag:$0x1] =	stream.indirect.gather [hbm4b:s4+s15], $0x80, s25, s15, $0xb8;
	[tilespmem:$0x1E800] =	vst v63  }
0x54: {  	_ =	swait.ge [sflag:s19], $0x4000  }
.Ltmp2:
0x55: {  	[sflag:s19] =	ssyncset.done $0x0;
	(pc) =	sbr.rel @p1 .LBB2_7-.Ltmp2, $4  }
0x56: {  	s24 =	sadd.s32 $0x1480, s24;
	[sflag:s19] =	ssyncadd.s32 $0xFFFFC000  }
0x57: {  	[spmem:s1] =	stream.indirect.scatter.add.f32 [tilespmem:s17], [sflag:$0x3], $0x80, s24, s15, $0xb8;
	[tilespmem:$0x1E800] =	vst v63  }
0x58: {  	_ =	swait.ge [sflag:s13], $0x4000  }
0x59: {  	s25 =	smov.u32 s29;
	s24 =	sshra.s32 s28, $0x2;
	[sflag:s13] =	ssyncset.done $0x0  }
0x5a: {  	s25 =	sadd.s32 $0x80, s24;
	[sflag:s13] =	ssyncadd.s32 $0xFFFFC000  }
0x5b: {  	[tilespmem:s17], [sflag:$0x2] =	stream.indirect.gather [hbm4b:s4+s15], $0x80, s25, s15, $0xb8;
	[tilespmem:$0x1E800] =	vst v63  }
0x5c: {  	_ =	swait.ge [sflag:s18], $0x4000  }
0x5d: {  	[sflag:s18] =	ssyncset.done $0x0  }
0x5e: {  	s29 =	sadd.s32 $0x1400, s24;
	[sflag:s18] =	ssyncadd.s32 $0xFFFFC000  }
0x5f: {  	[spmem:s1] =	stream.indirect.scatter.add.f32 [tilespmem:s16], [sflag:$0x3], $0x80, s29, s15, $0xb8;
	[tilespmem:$0x1E800] =	vst v63  }
0x60: {  	_ =	swait.ge [sflag:s13], $0x4000  }
0x61: {  	[sflag:s13] =	ssyncset.done $0x0  }
0x62: {  	s30 =	sadd.s32 $0x100, s24;
	[sflag:s13] =	ssyncadd.s32 $0xFFFFC000  }
0x63: {  	[tilespmem:s16], [sflag:$0x1] =	stream.indirect.gather [hbm4b:s4+s15], $0x80, s30, s15, $0xb8;
	[tilespmem:$0x1E800] =	vst v63  }
0x64: {  	_ =	swait.ge [sflag:s19], $0x4000  }
0x65: {  	[sflag:s19] =	ssyncset.done $0x0  }
0x66: {  	s31 =	sadd.s32 $0x1480, s24;
	[sflag:s19] =	ssyncadd.s32 $0xFFFFC000  }
0x67: {  	[spmem:s1] =	stream.indirect.scatter.add.f32 [tilespmem:s17], [sflag:$0x3], $0x80, s31, s15, $0xb8;
	[tilespmem:$0x1E800] =	vst v63  }
0x68: {  	_ =	swait.ge [sflag:s13], $0x4000  }
0x69: {  	[sflag:s13] =	ssyncset.done $0x0  }
0x6a: {  	[sflag:s13] =	ssyncadd.s32 $0xFFFFC000  }
0x6b: {  	[tilespmem:s17], [sflag:$0x2] =	stream.indirect.gather [hbm4b:s4+s15], $0x80, s20, s15, $0xb8;
	[tilespmem:$0x1E800] =	vst v63  }
0x6c: {  	_ =	swait.ge [sflag:s18], $0x4000  }
0x6d: {  	[sflag:s18] =	ssyncset.done $0x0  }
0x6e: {  	[sflag:s18] =	ssyncadd.s32 $0xFFFFC000  }
0x6f: {  	[spmem:s1] =	stream.indirect.scatter.add.f32 [tilespmem:s16], [sflag:$0x3], $0x80, s21, s15, $0xb8;
	[tilespmem:$0x1E800] =	vst v63  }
0x70: {  	_ =	swait.ge [sflag:s13], $0x4000  }
0x71: {  	[sflag:s13] =	ssyncset.done $0x0  }
0x72: {  	[sflag:s13] =	ssyncadd.s32 $0xFFFFC000  }
0x73: {  	s23 =	sadd.s32 $0x1, s23;
	_ =	swait.ge [sflag:s19], $0x4000  }
0x74: {  	p1 =	sne.s32 s23, $0x4;
	[sflag:s19] =	ssyncset.done $0x0  }
.Ltmp3:
0x75: {  	[sflag:s19] =	ssyncadd.s32 $0xFFFFC000;
	(pc) =	sbr.rel @p1 .LBB2_2-.Ltmp3, $4  }
0x76: {  	[spmem:s1] =	stream.indirect.scatter.add.f32 [tilespmem:s17], [sflag:$0x3], $0x80, s22, s15, $0xb8;
	[tilespmem:$0x1E800] =	vst v63  }
0x77: {  	_ =	swait.ge [sflag:s13], $0x4000  }
0x78: {  	[sflag:s13] =	ssyncset.done $0x0  }
0x79: {  	[sflag:s13] =	ssyncadd.s32 $0xFFFFC000  }
0x7a: {  	s3 =	sadd.s32 $0x1, s3  }
0x7b: {  	p1 =	sne.s32 s3, s11  }
.Ltmp4:
0x7c: {  	[bflag:$0x0] =	sbarrier.arrive $0xFFFF;
	(pc) =	sbr.rel @p1 .LBB2_1-.Ltmp4, $4  }
0x7d: {  	[hbm:s10], [sflag:s8] =	dma.local [spmem:s12], $0x2800  }
0x7e: {  	_ =	swait.ge [sflag:s13], $0x2800  }
0x7f: {  	[sflag:s13] =	ssyncset.done $0x0  }
0x80: {  	[sflag:s13] =	ssyncadd.s32 $0xFFFFD800  }
0x81: {  	_ =	sfence.sel $0x180000  }
0x82: {  	[bflag:$0x0] =	sbarrier.arrive $0xFFFF  }
0x83: {  	p0 =	sne.s32 s2, $0x0;
	_ =	strace $0x9000004D  }
0x84: {  	s0 =	sadd.s32 @!p0 $0x100000, s0;
	[bflag:$0x2] =	sbarrier.arrive $0xFFFF  }
0x85: {  	[sflag:s0] =	ssyncadd.tile.s32 @!p0 $0x1;
	_ =	shalt  }
.Lfunc_end2:
_tile_overlayer_lowered:
.L_overlay_start_2:
0x86: {  	(tag) =	ssettag $0x2  }
0x87: {  	s0 =	rddreg [dreg:$0x0];
	s2 =	stileid.u32  }
0x88: {  	s1 =	rddreg [dreg:$0x1];
	p0 =	sne.s32 s2, $0x0  }
0x89: {  	s3 =	rddreg [dreg:$0x2];
	[bflag:$0x3] =	sbarrier.arrive $0xFFFF;
	s2 =	simm.s32 @!p0 $0x1C03  }
0x8a: {  	[timem:s3], [sflag:s2] =	dma.local @!p0 [hbm:s0], s1  }
0x8b: {  	s0 =	simm.s32 @!p0 $0x3  }
0x8c: {  	_ =	swait.ge @!p0 [sflag:s0], s1  }
0x8d: {  	s1 =	ssub.s32 @!p0 $0x0, s1;
	[sflag:s0] =	ssyncset.done @!p0 $0x0  }
0x8e: {  	[sflag:s0] =	ssyncadd.s32 @!p0 s1  }
0x8f: {  	[bflag:$0x3] =	sbarrier.arrive $0xFFFF  }
0x90: {  	_ =	shalt  }

// kernel: kernel.8.cloned.1.call-start
scs
__scs_entry_jumppad:
0x0: {  	(pc) =	sbr.rel $0x88, $3  }
0x1: {  	(tag) =	ssettag $0x0;
	lr =	simm.s32 $0x1  }
0x2: {  	[smem:$0x3F98] =	sst lr;
	_ =	strace $0xD0000000  }
0x3: {  	_ = 	snop  }
0x4: {  	_ = 	snop  }
0x5: {  	_ = 	snop  }
0x6: {  	_ = 	snop  }
0x7: {  	_ = 	snop  }
__scs_overlays_trampoline_lowered:
0x8: {  	[smem:$0x3FA7] =	sst s0  }
0x9: {  	[smem:$0x3FA8] =	sst s1  }
0xa: {  	[smem:$0x3FA9] =	sst s2  }
0xb: {  	[smem:$0x3FAA] =	sst s3  }
0xc: {  	[smem:$0x3FAB] =	sst s4  }
0xd: {  	[smem:$0x3FAC] =	sst s5  }
0xe: {  	[smem:$0x3FAD] =	sst s6  }
0xf: {  	[smem:$0x3FAE] =	sst s7  }
0x10: {  	[smem:$0x3FAF] =	sst s8  }
0x11: {  	[smem:$0x3FB0] =	sst s9;
	s0 =	simm.s32 @!p0 $0x0  }
0x12: {  	s1 =	sld [smem:$0x3F96];
	s0 =	simm.s32 @p0 $0x1  }
0x13: {  	[smem:$0x3FB1] =	sst s0;
	s0 =	simm.s32 @!p1 $0x0  }
0x14: {  	s2 =	sld [smem:$0x3F95];
	s0 =	simm.s32 @p1 $0x1  }
0x15: {  	[smem:$0x3FB2] =	sst s0;
	s0 =	simm.s32 @!p2 $0x0  }
0x16: {  	s3 =	sld [smem:$0x3FDB];
	s0 =	simm.s32 @p2 $0x1  }
0x17: {  	s4 =	simm.s32 $0x1BF5;
	[smem:$0x3FB4] =	sst s0  }
0x18: {  	s0 =	sld [smem:$0x3F97];
	_ =	swait.ge [sflag:s4], $0x0  }
0x19: {  	s7 =	sld [smem:$0x3F98]  }
0x1a: {  	s8 =	sadd.s32 $0xFFFFE003, lr  }
0x1b: {  	s9 =	sadd.s32 $0xFFFFFEF7, lr;
	s5 =	simm.s32 $0xFFFFFFFF;
	p2 =	slt.u32 s8, $0xFFFFF086  }
0x1c: {  	p1 =	slt.u32 s9, $0xF7A;
	s5 =	simm.s32 @!p2 $0x0  }
0x1d: {  	s5 =	simm.s32 @p1 $0x1;
	p0 =	seq.s32 s7, s2  }
0x1e: {  	s7 =	smul.u32 @!p0 $0xF7A, s2;
	p2 =	seq.s32 @!p0 s5, $0x0  }
0x1f: {  	s9 =	smul.u32 $0xF7A, s1;
	s8 =	simm.s32 @!p0 $0x1BF5;
	p2 =	por !p2, p0  }
0x20: {  	[sflag:s8] =	ssyncset.s32 @!p0 $0xFFFFF086;
	s6 =	sadd.s32 @!p0 s3, s7;
	s7 =	simm.s32 @!p0 $0x108  }
0x21: {  	s3 =	sadd.s32 s3, s9;
	s6 =	sadd.s32 @!p0 $0x88, s6;
	s7 =	simm.s32 @p2 $0x1082  }
0x22: {  	[simem:s7], [sflag:s8] =	dma.local @!p0 [hbm:s6], $0xF7A  }
0x23: {  	s9 =	sor.u32 $0xD0000000, s2;
	s6 =	simm.s32 $0x108;
	_ =	swait.ge @!p0 [sflag:s8], $0x0  }
0x24: {  	s3 =	sadd.s32 $0x88, s3;
	s6 =	simm.s32 @!p1 $0x1082;
	[sflag:s4] =	ssyncset.s32 $0xFFFFF086  }
0x25: {  	[simem:s6], [sflag:s4] =	dma.local [hbm:s3], $0xF7A  }
0x26: {  	[smem:$0x3F98] =	sst s1;
	(tag) =	ssettag s2;
	_ =	strace s9  }
0x27: {  	s1 =	sld [smem:$0x3FA8]  }
0x28: {  	s2 =	sld [smem:$0x3FA9]  }
0x29: {  	s4 =	sld [smem:$0x3FAB]  }
0x2a: {  	p0 =	seq.s32 s5, $0x0;
	s5 =	sld [smem:$0x3FAC]  }
0x2b: {  	s6 =	sld [smem:$0x3FAD]  }
0x2c: {  	s7 =	sld [smem:$0x3FAE]  }
0x2d: {  	s3 =	simm.s32 $0x108;
	s8 =	sld [smem:$0x3FAF]  }
0x2e: {  	s3 =	simm.s32 @!p0 $0x1082;
	s9 =	sld [smem:$0x3FB0]  }
0x2f: {  	lr =	sadd.s32 s0, s3;
	s0 =	sld [smem:$0x3FA7]  }
0x30: {  	s3 =	sld [smem:$0x3FAA]  }
0x31: {  	[smem:$0x3FB3] =	sst s10  }
0x32: {  	s10 =	sld [smem:$0x3FB1];
	_ =	sdelay $0x3  }
0x33: {  	p0 =	seq.s32 s10, $0x1;
	s10 =	sld [smem:$0x3FB3];
	_ =	sdelay $0x3  }
0x34: {  	[smem:$0x3FB3] =	sst s10  }
0x35: {  	s10 =	sld [smem:$0x3FB2];
	_ =	sdelay $0x3  }
0x36: {  	p1 =	seq.s32 s10, $0x1;
	s10 =	sld [smem:$0x3FB3];
	_ =	sdelay $0x3  }
0x37: {  	[smem:$0x3FB3] =	sst s10  }
0x38: {  	s10 =	sld [smem:$0x3FB4]  }
0x39: {  	_ = 	snop;
	(pc) =	sbr.ind lr, $3  }
0x3a: {  	_ = 	snop  }
0x3b: {  	_ = 	snop  }
0x3c: {  	p2 =	seq.s32 s10, $0x1;
	s10 =	sld [smem:$0x3FB3]  }
0x3d: {  	_ =	shalt  }
0x3e: {  	_ =	shalt  }
0x3f: {  	_ =	shalt  }
0x40: {  	_ =	shalt  }
0x41: {  	_ =	shalt  }
0x42: {  	_ =	shalt  }
0x43: {  	_ =	shalt  }
0x44: {  	_ =	shalt  }
0x45: {  	_ =	shalt  }
0x46: {  	_ =	shalt  }
0x47: {  	_ =	shalt  }
0x48: {  	_ =	shalt  }
0x49: {  	_ =	shalt  }
0x4a: {  	_ =	shalt  }
0x4b: {  	_ =	shalt  }
0x4c: {  	_ =	shalt  }
0x4d: {  	_ =	shalt  }
0x4e: {  	_ =	shalt  }
0x4f: {  	_ =	shalt  }
0x50: {  	_ =	shalt  }
0x51: {  	_ =	shalt  }
0x52: {  	_ =	shalt  }
0x53: {  	_ =	shalt  }
0x54: {  	_ =	shalt  }
0x55: {  	_ =	shalt  }
0x56: {  	_ =	shalt  }
0x57: {  	_ =	shalt  }
0x58: {  	_ =	shalt  }
0x59: {  	_ =	shalt  }
0x5a: {  	_ =	shalt  }
0x5b: {  	_ =	shalt  }
0x5c: {  	_ =	shalt  }
0x5d: {  	_ =	shalt  }
0x5e: {  	_ =	shalt  }
0x5f: {  	_ =	shalt  }
0x60: {  	_ =	shalt  }
0x61: {  	_ =	shalt  }
0x62: {  	_ =	shalt  }
0x63: {  	_ =	shalt  }
0x64: {  	_ =	shalt  }
0x65: {  	_ =	shalt  }
0x66: {  	_ =	shalt  }
0x67: {  	_ =	shalt  }
0x68: {  	_ =	shalt  }
0x69: {  	_ =	shalt  }
0x6a: {  	_ =	shalt  }
0x6b: {  	_ =	shalt  }
0x6c: {  	_ =	shalt  }
0x6d: {  	_ =	shalt  }
0x6e: {  	_ =	shalt  }
0x6f: {  	_ =	shalt  }
0x70: {  	_ =	shalt  }
0x71: {  	_ =	shalt  }
0x72: {  	_ =	shalt  }
0x73: {  	_ =	shalt  }
0x74: {  	_ =	shalt  }
0x75: {  	_ =	shalt  }
0x76: {  	_ =	shalt  }
0x77: {  	_ =	shalt  }
0x78: {  	_ =	shalt  }
0x79: {  	_ =	shalt  }
0x7a: {  	_ =	shalt  }
0x7b: {  	_ =	shalt  }
0x7c: {  	_ =	shalt  }
0x7d: {  	_ =	shalt  }
0x7e: {  	_ =	shalt  }
0x7f: {  	_ =	shalt  }
0x80: {  	_ =	shalt  }
0x81: {  	_ =	shalt  }
0x82: {  	_ =	shalt  }
0x83: {  	_ =	shalt  }
0x84: {  	_ =	shalt  }
0x85: {  	_ =	shalt  }
0x86: {  	_ =	shalt  }
0x87: {  	_ =	shalt  }
.Lfunc_end0:
.L_simem_size_0:
called_computation_lowered:
.L_overlay_start_0:
0x88: {  	s2 =	sld [smem:$0x3FD9]  }
0x89: {  	s3 =	sld [smem:$0x3FFE];
	_ =	sdelay $0x1  }
0x8a: {  	s1 =	srdreg.scid  }
0x8b: {  	s0 =	sand.u32 $0x1, s1  }
0x8c: {  	s16 =	sshll.u32 s0, $0xA;
	s2 =	sadd.s32 s3, s2  }
0x8d: {  	s2 =	sadd.s32 s2, s16  }
0x8e: {  	[smem:$0x3FBF] =	sst s2  }
0x8f: {  	_ = 	snop  }
0x90: {  	(tm) =	ssettm $0x1  }
0x91: {  	s17 =	sld [smem:$0x3FFB];
	_ =	sdelay $0x3  }
0x92: {  	_ =	strace s17  }
0x93: {  	s2 =	sld [smem:$0x3FFC];
	_ =	sdelay $0x3  }
0x94: {  	_ =	strace s2  }
0x95: {  	s2 =	sld [smem:$0x3FFD];
	_ =	sdelay $0x3  }
0x96: {  	_ =	strace s2  }
0x97: {  	_ =	strace $0x8FFFFFFF  }
0x98: {  	s18 =	sld [smem:$0x3FDB];
	_ =	sdelay $0x1  }
0x99: {  	s19 =	simm.s32 $_scs_section_size  }
0x9a: {  	s4 =	simm.s32 $_size__tile_overlayer_lowered;
	s5 =	simm.s32 $_tile_overlayer_lowered  }
0x9b: {  	s22 =	simm.s32 $0x1BFF;
	s21 =	sshll.u32 s5, $0x1;
	s2 =	sadd.s32 s19, s18  }
0x9c: {  	s6 =	simm.s32 $0x0;
	s20 =	sshll.u32 s4, $0x1;
	s4 =	sadd.s32 s21, s2  }
0x9d: {  	[timem:s6], [sflag:s22] =	dma.local [hbm:s4], s20  }
0x9e: {  	_ =	swait.ge [sflag:s22], s20  }
0x9f: {  	s3 =	ssub.s32 $0x0, s20;
	[sflag:s22] =	ssyncset.done $0x0  }
0xa0: {  	[sflag:s22] =	ssyncadd.s32 s3;
	_ =	sdelay $0x1  }
0xa1: {  	s23 =	simm.s32 $0x1B8B  }
0xa2: {  	_ =	swait.ge [sflag:s23], $0x1  }
0xa3: {  	[sflag:s23] =	ssyncset.done $0x0  }
0xa4: {  	s25 =	simm.s32 $0x1B8E;
	s24 =	sld [smem:$0x3FFE];
	[sflag:s23] =	ssyncadd.s32 $0xFFFFFFFF  }
0xa5: {  	s26 =	simm.s32 $execute0_lowered;
	[smem:$0x3FD2] =	sst s25  }
0xa6: {  	s4 =	sshll.u32 s26, $0x1;
	_ =	strace $0x80000046;
	[dreg:$0x1] =	wrdreg $0xFFFFFFFF  }
0xa7: {  	s28 =	simm.s32 $_size_execute0_lowered;
	s2 =	sadd.s32 s2, s4;
	[dreg:$0x0] =	wrdreg $0x0  }
0xa8: {  	s4 =	sshll.u32 s28, $0x1;
	[dreg:$0x2] =	wrdreg s2  }
0xa9: {  	[dreg:$0x3] =	wrdreg s4  }
0xaa: {  	[dreg:$0x4] =	wrdreg $0xC0  }
0xab: {  	_ =	task [dreg:s6], $0x5FFFF  }
0xac: {  	[dreg:$0x1] =	wrdreg $0xFFFFFFFF  }
0xad: {  	[dreg:$0x0] =	wrdreg $0x60  }
0xae: {  	[dreg:$0x2] =	wrdreg s24  }
0xaf: {  	[dreg:$0x3] =	wrdreg $0x2B000  }
0xb0: {  	[dreg:$0x4] =	wrdreg $0x9  }
0xb1: {  	_ =	task.clear_ibuf [dreg:s6], $0x5FFFF;
	_ =	strace $0x90000046  }
0xb2: {  	s29 =	simm.s32 $0x9;
	_ =	strace $0x80000048  }
0xb3: {  	_ =	swait.ge [sflag:s29], $0x1  }
0xb4: {  	[sflag:s29] =	ssyncadd.s32 $0xFFFFFFFF  }
0xb5: {  	_ =	strace $0x90000048  }
0xb6: {  	_ =	sfence  }
0xb7: {  	s30 =	sld [smem:$0x0];
	_ =	sdelay $0x2  }
0xb8: {  	s31 =	sshll.u32 s1, $0xD;
	s1 =	sshrl.u32 s1, $0x2  }
0xb9: {  	s3 =	sand.u32 $0x4000, s31;
	s1 =	sadd.s32 s1, s30  }
0xba: {  	s0 =	sor.u32 s3, s0;
	s1 =	sshll.u32 s1, $0x11  }
0xbb: {  	s0 =	sor.u32 s1, s0  }
0xbc: {  	s0 =	sadd.s32 $0x8F2B, s0  }
0xbd: {  	[sflag:s0] =	ssyncadd.remote.s32 $0x1  }
0xbe: {  	_ =	sfence.sel $0xFFFF  }
0xbf: {  	[dreg:$0x0] =	wrdreg $0xFFFFFFFF;
	(pc) =	sbr.abs _section_cstart, $3  }
0xc0: {  	[dreg:$0x1] =	wrdreg $0xFFFFFFFF  }
0xc1: {  	_ =	task.clear_ibuf [dreg:s6], $0x2FFFF;
	_ =	strace $0x9FFFFFFF  }
0xc2: {  	(tm) =	ssettm $0x7FFFFFFF  }
0xc3: {  	_ =	shalt  }
tec
execute0_lowered:
.L_overlay_start_1:
0x0: {  	(tag) =	ssettag $0x1  }
0x1: {  	s0 =	srdreg.scid  }
0x2: {  	s3 =	simm.s32 $0x1;
	s7 =	rddreg [dreg:$0x0];
	s6 =	sand.u32 $0x1, s0  }
0x3: {  	s9 =	simm.s32 $0x2800;
	s0 =	stileid.u32;
	s1 =	sshll.u32 s6, $0x4  }
0x4: {  	s5 =	simm.s32 $0x2800;
	s2 =	sand.u32 $0x1, s0;
	s1 =	sor.u32 s0, s1  }
0x5: {  	s10 =	smul.u32 $0x280, s0;
	p0 =	seq.s32 s2, $0x1;
	p1 =	seq.s32 s1, $0x0  }
0x6: {  	s14 =	simm.s32 $0x0;
	s11 =	smul.u32 $0x2800, s6;
	p1 =	por !p1, !p0  }
0x7: {  	s6 =	ssub.s32 $0x2, s6;
	s12 =	sshll.u32 s0, $0x6;
	p1 =	por !p1, !p1  }
0x8: {  	s2 =	rddreg [dreg:$0x1];
	s1 =	sshrl.u32 s1, $0x1;
	s3 =	simm.s32 @!p1 $0x0  }
0x9: {  	s31 =	sshrl.u32 s6, $0x1;
	s12 =	sor.u32 $0x1C01, s12;
	s4 =	ssub.s32 s1, s3  }
0xa: {  	s9 =	simm.s32 @!p0 $0x0;
	s30 =	sadd.s32 s10, s11;
	s8 =	smul.u32 $0x5000, s4  }
0xb: {  	s11 =	ssub.s32 s6, s31;
	s1 =	rddreg [dreg:$0x2];
	s3 =	simm.s32 $0x0  }
0xc: {  	[smem:$0x7FF] =	sst s3;
	s4 =	simm.s32 $0x1;
	s8 =	sadd.s32 s9, s8  }
0xd: {  	_ =	strace $0x80000047;
	s9 =	sshrl.u32 s30, $0x3;
	s8 =	sshrl.u32 s8, $0x3  }
0xe: {  	s9 =	sadd.s32 s9, s7;
	s8 =	sadd.s32 s8, s7;
	s7 =	sadd.s32 s10, s2  }
0xf: {  	s10 =	simm.s32 $0x80;
	s6 =	sadd.s32 $0xC600, s8;
	s8 =	sadd.s32 $0x16600, s9  }
0x10: {  	v0 =	vimm.f32 $0.0e+00;
	v1 =	vimm.f32 $1.000000000e+00;
	s9 =	smax.u32 s11, $0x1;
	s11 =	simm.s32 $0x2A80;
	s13 =	sshrl.u32 s7, $0x3  }
.LBB2_1:
0x11: {  	[tilespmem:s3], [sflag:$0x1] =	stream.linear.gather [hbm4b:s6+s3], $0x2800, $0x38;
	[tilespmem:$0x2D80] =	vst v63  }
0x12: {  	_ =	swait.ge [sflag:s4], $0x2800  }
0x13: {  	[sflag:s4] =	ssyncset.done $0x0  }
0x14: {  	[sflag:s4] =	ssyncadd.s32 $0xFFFFD800  }
0x15: {  	[tilespmem:$0x2800] =	vst v0  }
0x16: {  	[tilespmem:$0x2810] =	vst v0  }
0x17: {  	[tilespmem:$0x2820] =	vst v0  }
0x18: {  	[tilespmem:$0x2830] =	vst v0  }
0x19: {  	[tilespmem:$0x2840] =	vst v0  }
0x1a: {  	[tilespmem:$0x2850] =	vst v0  }
0x1b: {  	[tilespmem:$0x2860] =	vst v0  }
0x1c: {  	[tilespmem:$0x2870] =	vst v0  }
0x1d: {  	[tilespmem:$0x2880] =	vst v0  }
0x1e: {  	[tilespmem:$0x2890] =	vst v0  }
0x1f: {  	[tilespmem:$0x28A0] =	vst v0  }
0x20: {  	[tilespmem:$0x28B0] =	vst v0  }
0x21: {  	[tilespmem:$0x28C0] =	vst v0  }
0x22: {  	[tilespmem:$0x28D0] =	vst v0  }
0x23: {  	[tilespmem:$0x28E0] =	vst v0  }
0x24: {  	[tilespmem:$0x28F0] =	vst v0  }
0x25: {  	[tilespmem:$0x2900] =	vst v0  }
0x26: {  	[tilespmem:$0x2910] =	vst v0  }
0x27: {  	[tilespmem:$0x2920] =	vst v0  }
0x28: {  	[tilespmem:$0x2930] =	vst v0  }
0x29: {  	[tilespmem:$0x2940] =	vst v0  }
0x2a: {  	[tilespmem:$0x2950] =	vst v0  }
0x2b: {  	[tilespmem:$0x2960] =	vst v0  }
0x2c: {  	[tilespmem:$0x2970] =	vst v0  }
0x2d: {  	[tilespmem:$0x2980] =	vst v0  }
0x2e: {  	[tilespmem:$0x2990] =	vst v0  }
0x2f: {  	[tilespmem:$0x29A0] =	vst v0  }
0x30: {  	[tilespmem:$0x29B0] =	vst v0  }
0x31: {  	[tilespmem:$0x29C0] =	vst v0  }
0x32: {  	[tilespmem:$0x29D0] =	vst v0  }
0x33: {  	[tilespmem:$0x29E0] =	vst v0  }
0x34: {  	[tilespmem:$0x29F0] =	vst v0  }
0x35: {  	[tilespmem:$0x2A00] =	vst v0  }
0x36: {  	[tilespmem:$0x2A10] =	vst v0  }
0x37: {  	[tilespmem:$0x2A20] =	vst v0  }
0x38: {  	[tilespmem:$0x2A30] =	vst v0  }
0x39: {  	[tilespmem:$0x2A40] =	vst v0  }
0x3a: {  	[tilespmem:$0x2A50] =	vst v0  }
0x3b: {  	[tilespmem:$0x2A60] =	vst v0  }
0x3c: {  	[tilespmem:$0x2A70] =	vst v0  }
0x3d: {  	[tilespmem:$0x2A80] =	vst v1  }
0x3e: {  	[tilespmem:$0x2A90] =	vst v1  }
0x3f: {  	[tilespmem:$0x2AA0] =	vst v1  }
0x40: {  	[tilespmem:$0x2AB0] =	vst v1  }
0x41: {  	[tilespmem:$0x2AC0] =	vst v1  }
0x42: {  	[tilespmem:$0x2AD0] =	vst v1  }
0x43: {  	[tilespmem:$0x2AE0] =	vst v1  }
0x44: {  	[tilespmem:$0x2AF0] =	vst v1  }
0x45: {  	[spmem:s7] =	stream.linear.scatter [tilespmem:s5], [sflag:$0x1], $0x280, $0x38;
	[tilespmem:$0x2D80] =	vst v63  }
0x46: {  	_ =	swait.ge [sflag:s4], $0x280  }
0x47: {  	[sflag:s4] =	ssyncset.done $0x0  }
0x48: {  	[sflag:s4] =	ssyncadd.s32 $0xFFFFFD80  }
0x49: {  	s15 =	simm.s32 $0x0;
	[bflag:$0x0] =	sbarrier.arrive $0xFFFF  }
0x4a: {  	[spmem:s2] =	stream.indirect.scatter.add.f32 [tilespmem:s11], [sflag:$0x1], $0x1, s15, s10, $0xb8;
	[tilespmem:$0x2D80] =	vst v63  }
0x4b: {  	_ =	swait.ge [sflag:s4], $0x80  }
0x4c: {  	s15 =	simm.s32 $0x200;
	[sflag:s4] =	ssyncset.done $0x0  }
.LBB2_2:
0x4d: {  	s16 =	sshra.s32 s15, $0x2;
	[sflag:s4] =	ssyncadd.s32 $0xFFFFFF80;
	p0 =	sne.s32 s15, $0x9E00  }
0x4e: {  	[spmem:s2] =	stream.indirect.scatter.add.f32 [tilespmem:s11], [sflag:$0x1], $0x1, s16, s10, $0xb8;
	[tilespmem:$0x2D80] =	vst v63  }
.Ltmp0:
0x4f: {  	_ = 	snop;
	(pc) =	sbr.rel @p0 .LBB2_2-.Ltmp0, $4  }
0x50: {  	_ = 	snop  }
0x51: {  	s15 =	sadd.s32 $0x200, s15  }
0x52: {  	_ =	swait.ge [sflag:s4], $0x80  }
0x53: {  	[sflag:s4] =	ssyncset.done $0x0  }
0x54: {  	s14 =	sadd.s32 $0x1, s14  }
0x55: {  	[sflag:s4] =	ssyncadd.s32 $0xFFFFFF80;
	p0 =	sne.s32 s14, s9  }
.Ltmp1:
0x56: {  	[bflag:$0x0] =	sbarrier.arrive $0xFFFF;
	(pc) =	sbr.rel @p0 .LBB2_1-.Ltmp1, $4  }
0x57: {  	[hbm:s8], [sflag:s12] =	dma.local [spmem:s13], $0x50  }
0x58: {  	_ =	swait.ge [sflag:s4], $0x50  }
0x59: {  	[sflag:s4] =	ssyncset.done $0x0  }
0x5a: {  	[sflag:s4] =	ssyncadd.s32 $0xFFFFFFB0  }
0x5b: {  	_ =	sfence.sel $0x180000  }
0x5c: {  	[bflag:$0x0] =	sbarrier.arrive $0xFFFF  }
0x5d: {  	p0 =	sne.s32 s0, $0x0;
	_ =	strace $0x90000047  }
0x5e: {  	s0 =	sadd.s32 @!p0 $0x100000, s1;
	[bflag:$0x2] =	sbarrier.arrive $0xFFFF  }
0x5f: {  	[sflag:s0] =	ssyncadd.tile.s32 @!p0 $0x1;
	_ =	shalt  }
.Lfunc_end2:
_tile_overlayer_lowered:
.L_overlay_start_2:
0x60: {  	(tag) =	ssettag $0x2  }
0x61: {  	s0 =	rddreg [dreg:$0x0];
	s2 =	stileid.u32  }
0x62: {  	s1 =	rddreg [dreg:$0x1];
	p0 =	sne.s32 s2, $0x0  }
0x63: {  	s3 =	rddreg [dreg:$0x2];
	[bflag:$0x3] =	sbarrier.arrive $0xFFFF;
	s2 =	simm.s32 @!p0 $0x1C01  }
0x64: {  	[timem:s3], [sflag:s2] =	dma.local @!p0 [hbm:s0], s1  }
0x65: {  	s0 =	simm.s32 @!p0 $0x1  }
0x66: {  	_ =	swait.ge @!p0 [sflag:s0], s1  }
0x67: {  	s1 =	ssub.s32 @!p0 $0x0, s1;
	[sflag:s0] =	ssyncset.done @!p0 $0x0  }
0x68: {  	[sflag:s0] =	ssyncadd.s32 @!p0 s1  }
0x69: {  	[bflag:$0x3] =	sbarrier.arrive $0xFFFF  }
0x6a: {  	_ =	shalt  }

</sc_bundles>
